<compile_context>
chip_gen: v7x
topology: tpu7x:2x2x1
jax: 0.10.2.dev20260603
libtpu: 0.0.44.dev20260713+nightly
codegen_flags: <defaults>
</compile_context>

<pallas_src>
import functools

import jax
import jax.numpy as jnp
from jax import lax
from jax.experimental import pallas as pl
from jax.experimental.pallas import tpu as pltpu
from jax.experimental.pallas import tpu_sc as plsc

NUM_SC = 2
NUM_SUBCORES = 16
LANES = 16
UNROLL = 32


def _sc_resolve_indices(labels32, drops32, num_embeddings):
    B = labels32.shape[0]
    NW = NUM_SC * NUM_SUBCORES
    b_per_w = B // NW
    V = num_embeddings

    mesh = plsc.VectorSubcoreMesh(core_axis_name="c", subcore_axis_name="s")

    @functools.partial(
        pl.kernel,
        mesh=mesh,
        out_type=jax.ShapeDtypeStruct((B,), jnp.int32),
        scratch_types=[
            pltpu.VMEM((b_per_w,), jnp.int32),
            pltpu.VMEM((b_per_w,), jnp.int32),
            pltpu.VMEM((b_per_w,), jnp.int32),
        ],
    )
    def route(lab_hbm, fdi_hbm, idx_hbm, lab_v, fdi_v, idx_v):
        c = lax.axis_index("c")
        s = lax.axis_index("s")
        base = (c * NUM_SUBCORES + s) * b_per_w

        pltpu.sync_copy(lab_hbm.at[pl.ds(base, b_per_w)], lab_v)
        pltpu.sync_copy(fdi_hbm.at[pl.ds(base, b_per_w)], fdi_v)

        for h in range(b_per_w // LANES):
            hsl = pl.ds(h * LANES, LANES)
            idx_v[hsl] = jnp.where(fdi_v[hsl] == 1, V - 1, lab_v[hsl])

        pltpu.sync_copy(idx_v, idx_hbm.at[pl.ds(base, b_per_w)])

    return route(labels32, drops32)


BR = 512


def _tc_gather(table, idx):
    B = idx.shape[0]
    V, D = table.shape
    n_steps = B // BR

    def body(idx_ref, table_ref, out_ref):
        i = pl.program_id(0)

        def copy_row(r, _):
            row = idx_ref[i * BR + r]
            out_ref[pl.ds(r, 1), :] = table_ref[pl.ds(row, 1), :]
            return _

        lax.fori_loop(0, BR, copy_row, None, unroll=UNROLL)

    grid_spec = pltpu.PrefetchScalarGridSpec(
        num_scalar_prefetch=1,
        grid=(n_steps,),
        in_specs=[pl.BlockSpec((V, D), lambda i, idx_ref: (0, 0))],
        out_specs=pl.BlockSpec((BR, D), lambda i, idx_ref: (i, 0)),
    )
    return pl.pallas_call(
        body,
        grid_spec=grid_spec,
        out_shape=jax.ShapeDtypeStruct((B, D), jnp.float32),
    )(idx, table)


def kernel(labels, train, force_drop_ids, embedding_table):
    del train
    V, _ = embedding_table.shape
    labels32 = labels.astype(jnp.int32)
    drops32 = force_drop_ids.astype(jnp.int32)
    idx = _sc_resolve_indices(labels32, drops32, V)
    return _tc_gather(embedding_table, idx)

# --- scband reference (transcript-rebuilt; emitter-appended) ---
"""Pipeline reference for scband-label-embedder-11888469475764 (READ-ONLY COPY).

The authoritative reference and input builder live on the scoring server;
editing this copy changes nothing except your own understanding.
"""

import jax, jax.numpy as jnp
import numpy as np

NUM_CLASSES = 1000
HIDDEN_SIZE = 1024
BATCH = 16384

def setup_inputs(seed: int = 0) -> dict:
    key = jax.random.key(seed)
    k1, k2, k3 = jax.random.split(key, 3)
    labels = jax.random.randint(k1, (BATCH,), 0, NUM_CLASSES).astype(jnp.int64) if jax.config.jax_enable_x64 else jax.random.randint(k1, (BATCH,), 0, NUM_CLASSES)
    force_drop_ids = jax.random.randint(k2, (BATCH,), 0, 2)
    # nn.Embed param: (num_classes + use_cfg_embedding, hidden_size); dropout_prob>0 -> +1 CFG row
    embedding_table = jax.random.normal(k3, (NUM_CLASSES + 1, HIDDEN_SIZE), dtype=jnp.float32) * 0.02
    return {"labels": labels, "train": 0, "force_drop_ids": force_drop_ids, "embedding_table": embedding_table}

def reference(labels, train, force_drop_ids, embedding_table):
    # use_cfg_embedding = dropout_prob > 0 -> True
    # Since force_drop_ids is not None, token_drop runs regardless of train flag
    # (deterministic path: drop_ids = force_drop_ids == 1; no RNG needed).
    drop_ids = force_drop_ids == 1
    labels = jnp.where(drop_ids, NUM_CLASSES, labels)
    embeddings = jnp.take(embedding_table, labels, axis=0)
    return embeddings

if __name__ == "__main__":
    import jax
    _d = setup_inputs()
    print(jax.jit(kernel)(*tuple(_d.values())))

</pallas_src>

<mosaic_0001>
#map = affine_map<(d0, d1) -> (0)>
module attributes {stable_mosaic.version = 14 : i64} {
  func.func @route(%arg0: i32, %arg1: i32, %arg2: memref<16384xi32, #tpu.memory_space<hbm>>, %arg3: memref<16384xi32, #tpu.memory_space<hbm>>, %arg4: memref<16384xi32, #tpu.memory_space<hbm>>, %arg5: memref<512xi32, #tpu.memory_space<vmem>>, %arg6: memref<512xi32, #tpu.memory_space<vmem>>, %arg7: memref<512xi32, #tpu.memory_space<vmem>>) attributes {dimension_semantics = [#tpu.dimension_semantics<core_parallel>, #tpu.dimension_semantics<subcore_parallel>], iteration_bounds = array<i64: 2, 16>, scalar_prefetch = 0 : i64, scratch_operands = 3 : i64, tpu.core_type = #tpu.core_type<sc_vector_subcore>, window_params = [{transform_indices = #map}, {transform_indices = #map}, {transform_indices = #map}]} {
    %mul3A = arith.constant 16 : i32
    %mul3A_0 = arith.muli %arg0, %mul3A : i32
    %add3A = arith.addi %mul3A_0, %arg1 : i32
    %mul3A_1 = arith.constant 512 : i32
    %mul3A_2 = arith.muli %add3A, %mul3A_1 : i32
    "tpu.region"() ({
      %run_scoped3A = tpu.sem_alloc : memref<!tpu.dma_semaphore, #tpu.memory_space<semaphore_mem>>
      %dma_start3A = tpu.memref_slice %arg2[%mul3A_2] : memref<16384xi32, #tpu.memory_space<hbm>> -> memref<512xi32, #tpu.memory_space<hbm>>
      %dma_start3A_509 = tpu.memref_slice %arg2[%mul3A_2] : memref<16384xi32, #tpu.memory_space<hbm>> -> memref<512xi32, #tpu.memory_space<hbm>>
      tpu.enqueue_dma source(%dma_start3A_509 : memref<512xi32, #tpu.memory_space<hbm>>) target(%arg5 : memref<512xi32, #tpu.memory_space<vmem>>) target_semaphore(%run_scoped3A : memref<!tpu.dma_semaphore, #tpu.memory_space<semaphore_mem>>)
      %dma_wait3A = tpu.memref_slice %arg2[%mul3A_2] : memref<16384xi32, #tpu.memory_space<hbm>> -> memref<512xi32, #tpu.memory_space<hbm>>
      %dma_wait3A_510 = tpu.memref_slice %arg2[%mul3A_2] : memref<16384xi32, #tpu.memory_space<hbm>> -> memref<512xi32, #tpu.memory_space<hbm>>
      tpu.wait_dma2 semaphore(%run_scoped3A : memref<!tpu.dma_semaphore, #tpu.memory_space<semaphore_mem>>) src(%dma_wait3A_510 : memref<512xi32, #tpu.memory_space<hbm>>) dst(%arg5 : memref<512xi32, #tpu.memory_space<vmem>>)
      tpu.yield
    }) : () -> ()
    "tpu.region"() ({
      %run_scoped3A = tpu.sem_alloc : memref<!tpu.dma_semaphore, #tpu.memory_space<semaphore_mem>>
      %dma_start3A = tpu.memref_slice %arg3[%mul3A_2] : memref<16384xi32, #tpu.memory_space<hbm>> -> memref<512xi32, #tpu.memory_space<hbm>>
      %dma_start3A_509 = tpu.memref_slice %arg3[%mul3A_2] : memref<16384xi32, #tpu.memory_space<hbm>> -> memref<512xi32, #tpu.memory_space<hbm>>
      tpu.enqueue_dma source(%dma_start3A_509 : memref<512xi32, #tpu.memory_space<hbm>>) target(%arg6 : memref<512xi32, #tpu.memory_space<vmem>>) target_semaphore(%run_scoped3A : memref<!tpu.dma_semaphore, #tpu.memory_space<semaphore_mem>>)
      %dma_wait3A = tpu.memref_slice %arg3[%mul3A_2] : memref<16384xi32, #tpu.memory_space<hbm>> -> memref<512xi32, #tpu.memory_space<hbm>>
      %dma_wait3A_510 = tpu.memref_slice %arg3[%mul3A_2] : memref<16384xi32, #tpu.memory_space<hbm>> -> memref<512xi32, #tpu.memory_space<hbm>>
      tpu.wait_dma2 semaphore(%run_scoped3A : memref<!tpu.dma_semaphore, #tpu.memory_space<semaphore_mem>>) src(%dma_wait3A_510 : memref<512xi32, #tpu.memory_space<hbm>>) dst(%arg6 : memref<512xi32, #tpu.memory_space<vmem>>)
      tpu.yield
    }) : () -> ()
    %get3A = arith.constant 0 : index
    %get3A_3 = tpu.vector_load %arg6[%get3A] {strides = array<i32>} : memref<512xi32, #tpu.memory_space<vmem>>, vector<16xi32>,
    %get3A_4 = vector.shape_cast %get3A_3 : vector<16xi32> to vector<16xi32>
    %eq3A = arith.constant 1 : i32
    %eq3A_5 = vector.broadcast %eq3A : i32 to vector<16xi32>
    %eq3A_6 = arith.cmpi eq, %get3A_4, %eq3A_5 : vector<16xi32>
    %get3A_7 = arith.constant 0 : index
    %get3A_8 = tpu.vector_load %arg5[%get3A_7] {strides = array<i32>} : memref<512xi32, #tpu.memory_space<vmem>>, vector<16xi32>,
    %get3A_9 = vector.shape_cast %get3A_8 : vector<16xi32> to vector<16xi32>
    %jit3A = arith.constant 1000 : i32
    %broadcast_in_dim3A = vector.broadcast %jit3A : i32 to vector<16xi32>
    %select_n3A = arith.select %eq3A_6, %broadcast_in_dim3A, %get3A_9 : vector<16xi1>, vector<16xi32>
    %swap3A = arith.constant 0 : index
    %swap3A_10 = tpu.vector_load %arg7[%swap3A] {strides = array<i32>} : memref<512xi32, #tpu.memory_space<vmem>>, vector<16xi32>,
    %swap3A_11 = vector.shape_cast %swap3A_10 : vector<16xi32> to vector<16xi32>
    %swap3A_12 = vector.shape_cast %select_n3A : vector<16xi32> to vector<16xi32>
    tpu.vector_store %arg7[%swap3A], %swap3A_12 {strides = array<i32>} : memref<512xi32, #tpu.memory_space<vmem>>, vector<16xi32>,
    %get3A_13 = arith.constant 16 : index
    %get3A_14 = tpu.vector_load %arg6[%get3A_13] {strides = array<i32>} : memref<512xi32, #tpu.memory_space<vmem>>, vector<16xi32>,
    %get3A_15 = vector.shape_cast %get3A_14 : vector<16xi32> to vector<16xi32>
    %eq3A_16 = arith.constant 1 : i32
    %eq3A_17 = vector.broadcast %eq3A_16 : i32 to vector<16xi32>
    %eq3A_18 = arith.cmpi eq, %get3A_15, %eq3A_17 : vector<16xi32>
    %get3A_19 = arith.constant 16 : index
    %get3A_20 = tpu.vector_load %arg5[%get3A_19] {strides = array<i32>} : memref<512xi32, #tpu.memory_space<vmem>>, vector<16xi32>,
    %get3A_21 = vector.shape_cast %get3A_20 : vector<16xi32> to vector<16xi32>
    %jit3A_22 = arith.constant 1000 : i32
    %broadcast_in_dim3A_23 = vector.broadcast %jit3A_22 : i32 to vector<16xi32>
    %select_n3A_24 = arith.select %eq3A_18, %broadcast_in_dim3A_23, %get3A_21 : vector<16xi1>, vector<16xi32>
    %swap3A_25 = arith.constant 16 : index
    %swap3A_26 = tpu.vector_load %arg7[%swap3A_25] {strides = array<i32>} : memref<512xi32, #tpu.memory_space<vmem>>, vector<16xi32>,
    %swap3A_27 = vector.shape_cast %swap3A_26 : vector<16xi32> to vector<16xi32>
    %swap3A_28 = vector.shape_cast %select_n3A_24 : vector<16xi32> to vector<16xi32>
    tpu.vector_store %arg7[%swap3A_25], %swap3A_28 {strides = array<i32>} : memref<512xi32, #tpu.memory_space<vmem>>, vector<16xi32>,
    %get3A_29 = arith.constant 32 : index
    %get3A_30 = tpu.vector_load %arg6[%get3A_29] {strides = array<i32>} : memref<512xi32, #tpu.memory_space<vmem>>, vector<16xi32>,
    %get3A_31 = vector.shape_cast %get3A_30 : vector<16xi32> to vector<16xi32>
    %eq3A_32 = arith.constant 1 : i32
    %eq3A_33 = vector.broadcast %eq3A_32 : i32 to vector<16xi32>
    %eq3A_34 = arith.cmpi eq, %get3A_31, %eq3A_33 : vector<16xi32>
    %get3A_35 = arith.constant 32 : index
    %get3A_36 = tpu.vector_load %arg5[%get3A_35] {strides = array<i32>} : memref<512xi32, #tpu.memory_space<vmem>>, vector<16xi32>,
    %get3A_37 = vector.shape_cast %get3A_36 : vector<16xi32> to vector<16xi32>
    %jit3A_38 = arith.constant 1000 : i32
    %broadcast_in_dim3A_39 = vector.broadcast %jit3A_38 : i32 to vector<16xi32>
    %select_n3A_40 = arith.select %eq3A_34, %broadcast_in_dim3A_39, %get3A_37 : vector<16xi1>, vector<16xi32>
    %swap3A_41 = arith.constant 32 : index
    %swap3A_42 = tpu.vector_load %arg7[%swap3A_41] {strides = array<i32>} : memref<512xi32, #tpu.memory_space<vmem>>, vector<16xi32>,
    %swap3A_43 = vector.shape_cast %swap3A_42 : vector<16xi32> to vector<16xi32>
    %swap3A_44 = vector.shape_cast %select_n3A_40 : vector<16xi32> to vector<16xi32>
    tpu.vector_store %arg7[%swap3A_41], %swap3A_44 {strides = array<i32>} : memref<512xi32, #tpu.memory_space<vmem>>, vector<16xi32>,
    %get3A_45 = arith.constant 48 : index
    %get3A_46 = tpu.vector_load %arg6[%get3A_45] {strides = array<i32>} : memref<512xi32, #tpu.memory_space<vmem>>, vector<16xi32>,
    %get3A_47 = vector.shape_cast %get3A_46 : vector<16xi32> to vector<16xi32>
    %eq3A_48 = arith.constant 1 : i32
    %eq3A_49 = vector.broadcast %eq3A_48 : i32 to vector<16xi32>
    %eq3A_50 = arith.cmpi eq, %get3A_47, %eq3A_49 : vector<16xi32>
    %get3A_51 = arith.constant 48 : index
    %get3A_52 = tpu.vector_load %arg5[%get3A_51] {strides = array<i32>} : memref<512xi32, #tpu.memory_space<vmem>>, vector<16xi32>,
    %get3A_53 = vector.shape_cast %get3A_52 : vector<16xi32> to vector<16xi32>
    %jit3A_54 = arith.constant 1000 : i32
    %broadcast_in_dim3A_55 = vector.broadcast %jit3A_54 : i32 to vector<16xi32>
    %select_n3A_56 = arith.select %eq3A_50, %broadcast_in_dim3A_55, %get3A_53 : vector<16xi1>, vector<16xi32>
    %swap3A_57 = arith.constant 48 : index
    %swap3A_58 = tpu.vector_load %arg7[%swap3A_57] {strides = array<i32>} : memref<512xi32, #tpu.memory_space<vmem>>, vector<16xi32>,
    %swap3A_59 = vector.shape_cast %swap3A_58 : vector<16xi32> to vector<16xi32>
    %swap3A_60 = vector.shape_cast %select_n3A_56 : vector<16xi32> to vector<16xi32>
    tpu.vector_store %arg7[%swap3A_57], %swap3A_60 {strides = array<i32>} : memref<512xi32, #tpu.memory_space<vmem>>, vector<16xi32>,
    %get3A_61 = arith.constant 64 : index
    %get3A_62 = tpu.vector_load %arg6[%get3A_61] {strides = array<i32>} : memref<512xi32, #tpu.memory_space<vmem>>, vector<16xi32>,
    %get3A_63 = vector.shape_cast %get3A_62 : vector<16xi32> to vector<16xi32>
    %eq3A_64 = arith.constant 1 : i32
    %eq3A_65 = vector.broadcast %eq3A_64 : i32 to vector<16xi32>
    %eq3A_66 = arith.cmpi eq, %get3A_63, %eq3A_65 : vector<16xi32>
    %get3A_67 = arith.constant 64 : index
    %get3A_68 = tpu.vector_load %arg5[%get3A_67] {strides = array<i32>} : memref<512xi32, #tpu.memory_space<vmem>>, vector<16xi32>,
    %get3A_69 = vector.shape_cast %get3A_68 : vector<16xi32> to vector<16xi32>
    %jit3A_70 = arith.constant 1000 : i32
    %broadcast_in_dim3A_71 = vector.broadcast %jit3A_70 : i32 to vector<16xi32>
    %select_n3A_72 = arith.select %eq3A_66, %broadcast_in_dim3A_71, %get3A_69 : vector<16xi1>, vector<16xi32>
    %swap3A_73 = arith.constant 64 : index
    %swap3A_74 = tpu.vector_load %arg7[%swap3A_73] {strides = array<i32>} : memref<512xi32, #tpu.memory_space<vmem>>, vector<16xi32>,
    %swap3A_75 = vector.shape_cast %swap3A_74 : vector<16xi32> to vector<16xi32>
    %swap3A_76 = vector.shape_cast %select_n3A_72 : vector<16xi32> to vector<16xi32>
    tpu.vector_store %arg7[%swap3A_73], %swap3A_76 {strides = array<i32>} : memref<512xi32, #tpu.memory_space<vmem>>, vector<16xi32>,
    %get3A_77 = arith.constant 80 : index
    %get3A_78 = tpu.vector_load %arg6[%get3A_77] {strides = array<i32>} : memref<512xi32, #tpu.memory_space<vmem>>, vector<16xi32>,
    %get3A_79 = vector.shape_cast %get3A_78 : vector<16xi32> to vector<16xi32>
    %eq3A_80 = arith.constant 1 : i32
    %eq3A_81 = vector.broadcast %eq3A_80 : i32 to vector<16xi32>
    %eq3A_82 = arith.cmpi eq, %get3A_79, %eq3A_81 : vector<16xi32>
    %get3A_83 = arith.constant 80 : index
    %get3A_84 = tpu.vector_load %arg5[%get3A_83] {strides = array<i32>} : memref<512xi32, #tpu.memory_space<vmem>>, vector<16xi32>,
    %get3A_85 = vector.shape_cast %get3A_84 : vector<16xi32> to vector<16xi32>
    %jit3A_86 = arith.constant 1000 : i32
    %broadcast_in_dim3A_87 = vector.broadcast %jit3A_86 : i32 to vector<16xi32>
    %select_n3A_88 = arith.select %eq3A_82, %broadcast_in_dim3A_87, %get3A_85 : vector<16xi1>, vector<16xi32>
    %swap3A_89 = arith.constant 80 : index
    %swap3A_90 = tpu.vector_load %arg7[%swap3A_89] {strides = array<i32>} : memref<512xi32, #tpu.memory_space<vmem>>, vector<16xi32>,
    %swap3A_91 = vector.shape_cast %swap3A_90 : vector<16xi32> to vector<16xi32>
    %swap3A_92 = vector.shape_cast %select_n3A_88 : vector<16xi32> to vector<16xi32>
    tpu.vector_store %arg7[%swap3A_89], %swap3A_92 {strides = array<i32>} : memref<512xi32, #tpu.memory_space<vmem>>, vector<16xi32>,
    %get3A_93 = arith.constant 96 : index
    %get3A_94 = tpu.vector_load %arg6[%get3A_93] {strides = array<i32>} : memref<512xi32, #tpu.memory_space<vmem>>, vector<16xi32>,
    %get3A_95 = vector.shape_cast %get3A_94 : vector<16xi32> to vector<16xi32>
    %eq3A_96 = arith.constant 1 : i32
    %eq3A_97 = vector.broadcast %eq3A_96 : i32 to vector<16xi32>
    %eq3A_98 = arith.cmpi eq, %get3A_95, %eq3A_97 : vector<16xi32>
    %get3A_99 = arith.constant 96 : index
    %get3A_100 = tpu.vector_load %arg5[%get3A_99] {strides = array<i32>} : memref<512xi32, #tpu.memory_space<vmem>>, vector<16xi32>,
    %get3A_101 = vector.shape_cast %get3A_100 : vector<16xi32> to vector<16xi32>
    %jit3A_102 = arith.constant 1000 : i32
    %broadcast_in_dim3A_103 = vector.broadcast %jit3A_102 : i32 to vector<16xi32>
    %select_n3A_104 = arith.select %eq3A_98, %broadcast_in_dim3A_103, %get3A_101 : vector<16xi1>, vector<16xi32>
    %swap3A_105 = arith.constant 96 : index
    %swap3A_106 = tpu.vector_load %arg7[%swap3A_105] {strides = array<i32>} : memref<512xi32, #tpu.memory_space<vmem>>, vector<16xi32>,
    %swap3A_107 = vector.shape_cast %swap3A_106 : vector<16xi32> to vector<16xi32>
    %swap3A_108 = vector.shape_cast %select_n3A_104 : vector<16xi32> to vector<16xi32>
    tpu.vector_store %arg7[%swap3A_105], %swap3A_108 {strides = array<i32>} : memref<512xi32, #tpu.memory_space<vmem>>, vector<16xi32>,
    %get3A_109 = arith.constant 112 : index
    %get3A_110 = tpu.vector_load %arg6[%get3A_109] {strides = array<i32>} : memref<512xi32, #tpu.memory_space<vmem>>, vector<16xi32>,
    %get3A_111 = vector.shape_cast %get3A_110 : vector<16xi32> to vector<16xi32>
    %eq3A_112 = arith.constant 1 : i32
    %eq3A_113 = vector.broadcast %eq3A_112 : i32 to vector<16xi32>
    %eq3A_114 = arith.cmpi eq, %get3A_111, %eq3A_113 : vector<16xi32>
    %get3A_115 = arith.constant 112 : index
    %get3A_116 = tpu.vector_load %arg5[%get3A_115] {strides = array<i32>} : memref<512xi32, #tpu.memory_space<vmem>>, vector<16xi32>,
    %get3A_117 = vector.shape_cast %get3A_116 : vector<16xi32> to vector<16xi32>
    %jit3A_118 = arith.constant 1000 : i32
    %broadcast_in_dim3A_119 = vector.broadcast %jit3A_118 : i32 to vector<16xi32>
    %select_n3A_120 = arith.select %eq3A_114, %broadcast_in_dim3A_119, %get3A_117 : vector<16xi1>, vector<16xi32>
    %swap3A_121 = arith.constant 112 : index
    %swap3A_122 = tpu.vector_load %arg7[%swap3A_121] {strides = array<i32>} : memref<512xi32, #tpu.memory_space<vmem>>, vector<16xi32>,
    %swap3A_123 = vector.shape_cast %swap3A_122 : vector<16xi32> to vector<16xi32>
    %swap3A_124 = vector.shape_cast %select_n3A_120 : vector<16xi32> to vector<16xi32>
    tpu.vector_store %arg7[%swap3A_121], %swap3A_124 {strides = array<i32>} : memref<512xi32, #tpu.memory_space<vmem>>, vector<16xi32>,
    %get3A_125 = arith.constant 128 : index
    %get3A_126 = tpu.vector_load %arg6[%get3A_125] {strides = array<i32>} : memref<512xi32, #tpu.memory_space<vmem>>, vector<16xi32>,
    %get3A_127 = vector.shape_cast %get3A_126 : vector<16xi32> to vector<16xi32>
    %eq3A_128 = arith.constant 1 : i32
    %eq3A_129 = vector.broadcast %eq3A_128 : i32 to vector<16xi32>
    %eq3A_130 = arith.cmpi eq, %get3A_127, %eq3A_129 : vector<16xi32>
    %get3A_131 = arith.constant 128 : index
    %get3A_132 = tpu.vector_load %arg5[%get3A_131] {strides = array<i32>} : memref<512xi32, #tpu.memory_space<vmem>>, vector<16xi32>,
    %get3A_133 = vector.shape_cast %get3A_132 : vector<16xi32> to vector<16xi32>
    %jit3A_134 = arith.constant 1000 : i32
    %broadcast_in_dim3A_135 = vector.broadcast %jit3A_134 : i32 to vector<16xi32>
    %select_n3A_136 = arith.select %eq3A_130, %broadcast_in_dim3A_135, %get3A_133 : vector<16xi1>, vector<16xi32>
    %swap3A_137 = arith.constant 128 : index
    %swap3A_138 = tpu.vector_load %arg7[%swap3A_137] {strides = array<i32>} : memref<512xi32, #tpu.memory_space<vmem>>, vector<16xi32>,
    %swap3A_139 = vector.shape_cast %swap3A_138 : vector<16xi32> to vector<16xi32>
    %swap3A_140 = vector.shape_cast %select_n3A_136 : vector<16xi32> to vector<16xi32>
    tpu.vector_store %arg7[%swap3A_137], %swap3A_140 {strides = array<i32>} : memref<512xi32, #tpu.memory_space<vmem>>, vector<16xi32>,
    %get3A_141 = arith.constant 144 : index
    %get3A_142 = tpu.vector_load %arg6[%get3A_141] {strides = array<i32>} : memref<512xi32, #tpu.memory_space<vmem>>, vector<16xi32>,
    %get3A_143 = vector.shape_cast %get3A_142 : vector<16xi32> to vector<16xi32>
    %eq3A_144 = arith.constant 1 : i32
    %eq3A_145 = vector.broadcast %eq3A_144 : i32 to vector<16xi32>
    %eq3A_146 = arith.cmpi eq, %get3A_143, %eq3A_145 : vector<16xi32>
    %get3A_147 = arith.constant 144 : index
    %get3A_148 = tpu.vector_load %arg5[%get3A_147] {strides = array<i32>} : memref<512xi32, #tpu.memory_space<vmem>>, vector<16xi32>,
    %get3A_149 = vector.shape_cast %get3A_148 : vector<16xi32> to vector<16xi32>
    %jit3A_150 = arith.constant 1000 : i32
    %broadcast_in_dim3A_151 = vector.broadcast %jit3A_150 : i32 to vector<16xi32>
    %select_n3A_152 = arith.select %eq3A_146, %broadcast_in_dim3A_151, %get3A_149 : vector<16xi1>, vector<16xi32>
    %swap3A_153 = arith.constant 144 : index
    %swap3A_154 = tpu.vector_load %arg7[%swap3A_153] {strides = array<i32>} : memref<512xi32, #tpu.memory_space<vmem>>, vector<16xi32>,
    %swap3A_155 = vector.shape_cast %swap3A_154 : vector<16xi32> to vector<16xi32>
    %swap3A_156 = vector.shape_cast %select_n3A_152 : vector<16xi32> to vector<16xi32>
    tpu.vector_store %arg7[%swap3A_153], %swap3A_156 {strides = array<i32>} : memref<512xi32, #tpu.memory_space<vmem>>, vector<16xi32>,
    %get3A_157 = arith.constant 160 : index
    %get3A_158 = tpu.vector_load %arg6[%get3A_157] {strides = array<i32>} : memref<512xi32, #tpu.memory_space<vmem>>, vector<16xi32>,
    %get3A_159 = vector.shape_cast %get3A_158 : vector<16xi32> to vector<16xi32>
    %eq3A_160 = arith.constant 1 : i32
    %eq3A_161 = vector.broadcast %eq3A_160 : i32 to vector<16xi32>
    %eq3A_162 = arith.cmpi eq, %get3A_159, %eq3A_161 : vector<16xi32>
    %get3A_163 = arith.constant 160 : index
    %get3A_164 = tpu.vector_load %arg5[%get3A_163] {strides = array<i32>} : memref<512xi32, #tpu.memory_space<vmem>>, vector<16xi32>,
    %get3A_165 = vector.shape_cast %get3A_164 : vector<16xi32> to vector<16xi32>
    %jit3A_166 = arith.constant 1000 : i32
    %broadcast_in_dim3A_167 = vector.broadcast %jit3A_166 : i32 to vector<16xi32>
    %select_n3A_168 = arith.select %eq3A_162, %broadcast_in_dim3A_167, %get3A_165 : vector<16xi1>, vector<16xi32>
    %swap3A_169 = arith.constant 160 : index
    %swap3A_170 = tpu.vector_load %arg7[%swap3A_169] {strides = array<i32>} : memref<512xi32, #tpu.memory_space<vmem>>, vector<16xi32>,
    %swap3A_171 = vector.shape_cast %swap3A_170 : vector<16xi32> to vector<16xi32>
    %swap3A_172 = vector.shape_cast %select_n3A_168 : vector<16xi32> to vector<16xi32>
    tpu.vector_store %arg7[%swap3A_169], %swap3A_172 {strides = array<i32>} : memref<512xi32, #tpu.memory_space<vmem>>, vector<16xi32>,
    %get3A_173 = arith.constant 176 : index
    %get3A_174 = tpu.vector_load %arg6[%get3A_173] {strides = array<i32>} : memref<512xi32, #tpu.memory_space<vmem>>, vector<16xi32>,
    %get3A_175 = vector.shape_cast %get3A_174 : vector<16xi32> to vector<16xi32>
    %eq3A_176 = arith.constant 1 : i32
    %eq3A_177 = vector.broadcast %eq3A_176 : i32 to vector<16xi32>
    %eq3A_178 = arith.cmpi eq, %get3A_175, %eq3A_177 : vector<16xi32>
    %get3A_179 = arith.constant 176 : index
    %get3A_180 = tpu.vector_load %arg5[%get3A_179] {strides = array<i32>} : memref<512xi32, #tpu.memory_space<vmem>>, vector<16xi32>,
    %get3A_181 = vector.shape_cast %get3A_180 : vector<16xi32> to vector<16xi32>
    %jit3A_182 = arith.constant 1000 : i32
    %broadcast_in_dim3A_183 = vector.broadcast %jit3A_182 : i32 to vector<16xi32>
    %select_n3A_184 = arith.select %eq3A_178, %broadcast_in_dim3A_183, %get3A_181 : vector<16xi1>, vector<16xi32>
    %swap3A_185 = arith.constant 176 : index
    %swap3A_186 = tpu.vector_load %arg7[%swap3A_185] {strides = array<i32>} : memref<512xi32, #tpu.memory_space<vmem>>, vector<16xi32>,
    %swap3A_187 = vector.shape_cast %swap3A_186 : vector<16xi32> to vector<16xi32>
    %swap3A_188 = vector.shape_cast %select_n3A_184 : vector<16xi32> to vector<16xi32>
    tpu.vector_store %arg7[%swap3A_185], %swap3A_188 {strides = array<i32>} : memref<512xi32, #tpu.memory_space<vmem>>, vector<16xi32>,
    %get3A_189 = arith.constant 192 : index
    %get3A_190 = tpu.vector_load %arg6[%get3A_189] {strides = array<i32>} : memref<512xi32, #tpu.memory_space<vmem>>, vector<16xi32>,
    %get3A_191 = vector.shape_cast %get3A_190 : vector<16xi32> to vector<16xi32>
    %eq3A_192 = arith.constant 1 : i32
    %eq3A_193 = vector.broadcast %eq3A_192 : i32 to vector<16xi32>
    %eq3A_194 = arith.cmpi eq, %get3A_191, %eq3A_193 : vector<16xi32>
    %get3A_195 = arith.constant 192 : index
    %get3A_196 = tpu.vector_load %arg5[%get3A_195] {strides = array<i32>} : memref<512xi32, #tpu.memory_space<vmem>>, vector<16xi32>,
    %get3A_197 = vector.shape_cast %get3A_196 : vector<16xi32> to vector<16xi32>
    %jit3A_198 = arith.constant 1000 : i32
    %broadcast_in_dim3A_199 = vector.broadcast %jit3A_198 : i32 to vector<16xi32>
    %select_n3A_200 = arith.select %eq3A_194, %broadcast_in_dim3A_199, %get3A_197 : vector<16xi1>, vector<16xi32>
    %swap3A_201 = arith.constant 192 : index
    %swap3A_202 = tpu.vector_load %arg7[%swap3A_201] {strides = array<i32>} : memref<512xi32, #tpu.memory_space<vmem>>, vector<16xi32>,
    %swap3A_203 = vector.shape_cast %swap3A_202 : vector<16xi32> to vector<16xi32>
    %swap3A_204 = vector.shape_cast %select_n3A_200 : vector<16xi32> to vector<16xi32>
    tpu.vector_store %arg7[%swap3A_201], %swap3A_204 {strides = array<i32>} : memref<512xi32, #tpu.memory_space<vmem>>, vector<16xi32>,
    %get3A_205 = arith.constant 208 : index
    %get3A_206 = tpu.vector_load %arg6[%get3A_205] {strides = array<i32>} : memref<512xi32, #tpu.memory_space<vmem>>, vector<16xi32>,
    %get3A_207 = vector.shape_cast %get3A_206 : vector<16xi32> to vector<16xi32>
    %eq3A_208 = arith.constant 1 : i32
    %eq3A_209 = vector.broadcast %eq3A_208 : i32 to vector<16xi32>
    %eq3A_210 = arith.cmpi eq, %get3A_207, %eq3A_209 : vector<16xi32>
    %get3A_211 = arith.constant 208 : index
    %get3A_212 = tpu.vector_load %arg5[%get3A_211] {strides = array<i32>} : memref<512xi32, #tpu.memory_space<vmem>>, vector<16xi32>,
    %get3A_213 = vector.shape_cast %get3A_212 : vector<16xi32> to vector<16xi32>
    %jit3A_214 = arith.constant 1000 : i32
    %broadcast_in_dim3A_215 = vector.broadcast %jit3A_214 : i32 to vector<16xi32>
    %select_n3A_216 = arith.select %eq3A_210, %broadcast_in_dim3A_215, %get3A_213 : vector<16xi1>, vector<16xi32>
    %swap3A_217 = arith.constant 208 : index
    %swap3A_218 = tpu.vector_load %arg7[%swap3A_217] {strides = array<i32>} : memref<512xi32, #tpu.memory_space<vmem>>, vector<16xi32>,
    %swap3A_219 = vector.shape_cast %swap3A_218 : vector<16xi32> to vector<16xi32>
    %swap3A_220 = vector.shape_cast %select_n3A_216 : vector<16xi32> to vector<16xi32>
    tpu.vector_store %arg7[%swap3A_217], %swap3A_220 {strides = array<i32>} : memref<512xi32, #tpu.memory_space<vmem>>, vector<16xi32>,
    %get3A_221 = arith.constant 224 : index
    %get3A_222 = tpu.vector_load %arg6[%get3A_221] {strides = array<i32>} : memref<512xi32, #tpu.memory_space<vmem>>, vector<16xi32>,
    %get3A_223 = vector.shape_cast %get3A_222 : vector<16xi32> to vector<16xi32>
    %eq3A_224 = arith.constant 1 : i32
    %eq3A_225 = vector.broadcast %eq3A_224 : i32 to vector<16xi32>
    %eq3A_226 = arith.cmpi eq, %get3A_223, %eq3A_225 : vector<16xi32>
    %get3A_227 = arith.constant 224 : index
    %get3A_228 = tpu.vector_load %arg5[%get3A_227] {strides = array<i32>} : memref<512xi32, #tpu.memory_space<vmem>>, vector<16xi32>,
    %get3A_229 = vector.shape_cast %get3A_228 : vector<16xi32> to vector<16xi32>
    %jit3A_230 = arith.constant 1000 : i32
    %broadcast_in_dim3A_231 = vector.broadcast %jit3A_230 : i32 to vector<16xi32>
    %select_n3A_232 = arith.select %eq3A_226, %broadcast_in_dim3A_231, %get3A_229 : vector<16xi1>, vector<16xi32>
    %swap3A_233 = arith.constant 224 : index
    %swap3A_234 = tpu.vector_load %arg7[%swap3A_233] {strides = array<i32>} : memref<512xi32, #tpu.memory_space<vmem>>, vector<16xi32>,
    %swap3A_235 = vector.shape_cast %swap3A_234 : vector<16xi32> to vector<16xi32>
    %swap3A_236 = vector.shape_cast %select_n3A_232 : vector<16xi32> to vector<16xi32>
    tpu.vector_store %arg7[%swap3A_233], %swap3A_236 {strides = array<i32>} : memref<512xi32, #tpu.memory_space<vmem>>, vector<16xi32>,
    %get3A_237 = arith.constant 240 : index
    %get3A_238 = tpu.vector_load %arg6[%get3A_237] {strides = array<i32>} : memref<512xi32, #tpu.memory_space<vmem>>, vector<16xi32>,
    %get3A_239 = vector.shape_cast %get3A_238 : vector<16xi32> to vector<16xi32>
    %eq3A_240 = arith.constant 1 : i32
    %eq3A_241 = vector.broadcast %eq3A_240 : i32 to vector<16xi32>
    %eq3A_242 = arith.cmpi eq, %get3A_239, %eq3A_241 : vector<16xi32>
    %get3A_243 = arith.constant 240 : index
    %get3A_244 = tpu.vector_load %arg5[%get3A_243] {strides = array<i32>} : memref<512xi32, #tpu.memory_space<vmem>>, vector<16xi32>,
    %get3A_245 = vector.shape_cast %get3A_244 : vector<16xi32> to vector<16xi32>
    %jit3A_246 = arith.constant 1000 : i32
    %broadcast_in_dim3A_247 = vector.broadcast %jit3A_246 : i32 to vector<16xi32>
    %select_n3A_248 = arith.select %eq3A_242, %broadcast_in_dim3A_247, %get3A_245 : vector<16xi1>, vector<16xi32>
    %swap3A_249 = arith.constant 240 : index
    %swap3A_250 = tpu.vector_load %arg7[%swap3A_249] {strides = array<i32>} : memref<512xi32, #tpu.memory_space<vmem>>, vector<16xi32>,
    %swap3A_251 = vector.shape_cast %swap3A_250 : vector<16xi32> to vector<16xi32>
    %swap3A_252 = vector.shape_cast %select_n3A_248 : vector<16xi32> to vector<16xi32>
    tpu.vector_store %arg7[%swap3A_249], %swap3A_252 {strides = array<i32>} : memref<512xi32, #tpu.memory_space<vmem>>, vector<16xi32>,
    %get3A_253 = arith.constant 256 : index
    %get3A_254 = tpu.vector_load %arg6[%get3A_253] {strides = array<i32>} : memref<512xi32, #tpu.memory_space<vmem>>, vector<16xi32>,
    %get3A_255 = vector.shape_cast %get3A_254 : vector<16xi32> to vector<16xi32>
    %eq3A_256 = arith.constant 1 : i32
    %eq3A_257 = vector.broadcast %eq3A_256 : i32 to vector<16xi32>
    %eq3A_258 = arith.cmpi eq, %get3A_255, %eq3A_257 : vector<16xi32>
    %get3A_259 = arith.constant 256 : index
    %get3A_260 = tpu.vector_load %arg5[%get3A_259] {strides = array<i32>} : memref<512xi32, #tpu.memory_space<vmem>>, vector<16xi32>,
    %get3A_261 = vector.shape_cast %get3A_260 : vector<16xi32> to vector<16xi32>
    %jit3A_262 = arith.constant 1000 : i32
    %broadcast_in_dim3A_263 = vector.broadcast %jit3A_262 : i32 to vector<16xi32>
    %select_n3A_264 = arith.select %eq3A_258, %broadcast_in_dim3A_263, %get3A_261 : vector<16xi1>, vector<16xi32>
    %swap3A_265 = arith.constant 256 : index
    %swap3A_266 = tpu.vector_load %arg7[%swap3A_265] {strides = array<i32>} : memref<512xi32, #tpu.memory_space<vmem>>, vector<16xi32>,
    %swap3A_267 = vector.shape_cast %swap3A_266 : vector<16xi32> to vector<16xi32>
    %swap3A_268 = vector.shape_cast %select_n3A_264 : vector<16xi32> to vector<16xi32>
    tpu.vector_store %arg7[%swap3A_265], %swap3A_268 {strides = array<i32>} : memref<512xi32, #tpu.memory_space<vmem>>, vector<16xi32>,
    %get3A_269 = arith.constant 272 : index
    %get3A_270 = tpu.vector_load %arg6[%get3A_269] {strides = array<i32>} : memref<512xi32, #tpu.memory_space<vmem>>, vector<16xi32>,
    %get3A_271 = vector.shape_cast %get3A_270 : vector<16xi32> to vector<16xi32>
    %eq3A_272 = arith.constant 1 : i32
    %eq3A_273 = vector.broadcast %eq3A_272 : i32 to vector<16xi32>
    %eq3A_274 = arith.cmpi eq, %get3A_271, %eq3A_273 : vector<16xi32>
    %get3A_275 = arith.constant 272 : index
    %get3A_276 = tpu.vector_load %arg5[%get3A_275] {strides = array<i32>} : memref<512xi32, #tpu.memory_space<vmem>>, vector<16xi32>,
    %get3A_277 = vector.shape_cast %get3A_276 : vector<16xi32> to vector<16xi32>
    %jit3A_278 = arith.constant 1000 : i32
    %broadcast_in_dim3A_279 = vector.broadcast %jit3A_278 : i32 to vector<16xi32>
    %select_n3A_280 = arith.select %eq3A_274, %broadcast_in_dim3A_279, %get3A_277 : vector<16xi1>, vector<16xi32>
    %swap3A_281 = arith.constant 272 : index
    %swap3A_282 = tpu.vector_load %arg7[%swap3A_281] {strides = array<i32>} : memref<512xi32, #tpu.memory_space<vmem>>, vector<16xi32>,
    %swap3A_283 = vector.shape_cast %swap3A_282 : vector<16xi32> to vector<16xi32>
    %swap3A_284 = vector.shape_cast %select_n3A_280 : vector<16xi32> to vector<16xi32>
    tpu.vector_store %arg7[%swap3A_281], %swap3A_284 {strides = array<i32>} : memref<512xi32, #tpu.memory_space<vmem>>, vector<16xi32>,
    %get3A_285 = arith.constant 288 : index
    %get3A_286 = tpu.vector_load %arg6[%get3A_285] {strides = array<i32>} : memref<512xi32, #tpu.memory_space<vmem>>, vector<16xi32>,
    %get3A_287 = vector.shape_cast %get3A_286 : vector<16xi32> to vector<16xi32>
    %eq3A_288 = arith.constant 1 : i32
    %eq3A_289 = vector.broadcast %eq3A_288 : i32 to vector<16xi32>
    %eq3A_290 = arith.cmpi eq, %get3A_287, %eq3A_289 : vector<16xi32>
    %get3A_291 = arith.constant 288 : index
    %get3A_292 = tpu.vector_load %arg5[%get3A_291] {strides = array<i32>} : memref<512xi32, #tpu.memory_space<vmem>>, vector<16xi32>,
    %get3A_293 = vector.shape_cast %get3A_292 : vector<16xi32> to vector<16xi32>
    %jit3A_294 = arith.constant 1000 : i32
    %broadcast_in_dim3A_295 = vector.broadcast %jit3A_294 : i32 to vector<16xi32>
    %select_n3A_296 = arith.select %eq3A_290, %broadcast_in_dim3A_295, %get3A_293 : vector<16xi1>, vector<16xi32>
    %swap3A_297 = arith.constant 288 : index
    %swap3A_298 = tpu.vector_load %arg7[%swap3A_297] {strides = array<i32>} : memref<512xi32, #tpu.memory_space<vmem>>, vector<16xi32>,
    %swap3A_299 = vector.shape_cast %swap3A_298 : vector<16xi32> to vector<16xi32>
    %swap3A_300 = vector.shape_cast %select_n3A_296 : vector<16xi32> to vector<16xi32>
    tpu.vector_store %arg7[%swap3A_297], %swap3A_300 {strides = array<i32>} : memref<512xi32, #tpu.memory_space<vmem>>, vector<16xi32>,
    %get3A_301 = arith.constant 304 : index
    %get3A_302 = tpu.vector_load %arg6[%get3A_301] {strides = array<i32>} : memref<512xi32, #tpu.memory_space<vmem>>, vector<16xi32>,
    %get3A_303 = vector.shape_cast %get3A_302 : vector<16xi32> to vector<16xi32>
    %eq3A_304 = arith.constant 1 : i32
    %eq3A_305 = vector.broadcast %eq3A_304 : i32 to vector<16xi32>
    %eq3A_306 = arith.cmpi eq, %get3A_303, %eq3A_305 : vector<16xi32>
    %get3A_307 = arith.constant 304 : index
    %get3A_308 = tpu.vector_load %arg5[%get3A_307] {strides = array<i32>} : memref<512xi32, #tpu.memory_space<vmem>>, vector<16xi32>,
    %get3A_309 = vector.shape_cast %get3A_308 : vector<16xi32> to vector<16xi32>
    %jit3A_310 = arith.constant 1000 : i32
    %broadcast_in_dim3A_311 = vector.broadcast %jit3A_310 : i32 to vector<16xi32>
    %select_n3A_312 = arith.select %eq3A_306, %broadcast_in_dim3A_311, %get3A_309 : vector<16xi1>, vector<16xi32>
    %swap3A_313 = arith.constant 304 : index
    %swap3A_314 = tpu.vector_load %arg7[%swap3A_313] {strides = array<i32>} : memref<512xi32, #tpu.memory_space<vmem>>, vector<16xi32>,
    %swap3A_315 = vector.shape_cast %swap3A_314 : vector<16xi32> to vector<16xi32>
    %swap3A_316 = vector.shape_cast %select_n3A_312 : vector<16xi32> to vector<16xi32>
    tpu.vector_store %arg7[%swap3A_313], %swap3A_316 {strides = array<i32>} : memref<512xi32, #tpu.memory_space<vmem>>, vector<16xi32>,
    %get3A_317 = arith.constant 320 : index
    %get3A_318 = tpu.vector_load %arg6[%get3A_317] {strides = array<i32>} : memref<512xi32, #tpu.memory_space<vmem>>, vector<16xi32>,
    %get3A_319 = vector.shape_cast %get3A_318 : vector<16xi32> to vector<16xi32>
    %eq3A_320 = arith.constant 1 : i32
    %eq3A_321 = vector.broadcast %eq3A_320 : i32 to vector<16xi32>
    %eq3A_322 = arith.cmpi eq, %get3A_319, %eq3A_321 : vector<16xi32>
    %get3A_323 = arith.constant 320 : index
    %get3A_324 = tpu.vector_load %arg5[%get3A_323] {strides = array<i32>} : memref<512xi32, #tpu.memory_space<vmem>>, vector<16xi32>,
    %get3A_325 = vector.shape_cast %get3A_324 : vector<16xi32> to vector<16xi32>
    %jit3A_326 = arith.constant 1000 : i32
    %broadcast_in_dim3A_327 = vector.broadcast %jit3A_326 : i32 to vector<16xi32>
    %select_n3A_328 = arith.select %eq3A_322, %broadcast_in_dim3A_327, %get3A_325 : vector<16xi1>, vector<16xi32>
    %swap3A_329 = arith.constant 320 : index
    %swap3A_330 = tpu.vector_load %arg7[%swap3A_329] {strides = array<i32>} : memref<512xi32, #tpu.memory_space<vmem>>, vector<16xi32>,
    %swap3A_331 = vector.shape_cast %swap3A_330 : vector<16xi32> to vector<16xi32>
    %swap3A_332 = vector.shape_cast %select_n3A_328 : vector<16xi32> to vector<16xi32>
    tpu.vector_store %arg7[%swap3A_329], %swap3A_332 {strides = array<i32>} : memref<512xi32, #tpu.memory_space<vmem>>, vector<16xi32>,
    %get3A_333 = arith.constant 336 : index
    %get3A_334 = tpu.vector_load %arg6[%get3A_333] {strides = array<i32>} : memref<512xi32, #tpu.memory_space<vmem>>, vector<16xi32>,
    %get3A_335 = vector.shape_cast %get3A_334 : vector<16xi32> to vector<16xi32>
    %eq3A_336 = arith.constant 1 : i32
    %eq3A_337 = vector.broadcast %eq3A_336 : i32 to vector<16xi32>
    %eq3A_338 = arith.cmpi eq, %get3A_335, %eq3A_337 : vector<16xi32>
    %get3A_339 = arith.constant 336 : index
    %get3A_340 = tpu.vector_load %arg5[%get3A_339] {strides = array<i32>} : memref<512xi32, #tpu.memory_space<vmem>>, vector<16xi32>,
    %get3A_341 = vector.shape_cast %get3A_340 : vector<16xi32> to vector<16xi32>
    %jit3A_342 = arith.constant 1000 : i32
    %broadcast_in_dim3A_343 = vector.broadcast %jit3A_342 : i32 to vector<16xi32>
    %select_n3A_344 = arith.select %eq3A_338, %broadcast_in_dim3A_343, %get3A_341 : vector<16xi1>, vector<16xi32>
    %swap3A_345 = arith.constant 336 : index
    %swap3A_346 = tpu.vector_load %arg7[%swap3A_345] {strides = array<i32>} : memref<512xi32, #tpu.memory_space<vmem>>, vector<16xi32>,
    %swap3A_347 = vector.shape_cast %swap3A_346 : vector<16xi32> to vector<16xi32>
    %swap3A_348 = vector.shape_cast %select_n3A_344 : vector<16xi32> to vector<16xi32>
    tpu.vector_store %arg7[%swap3A_345], %swap3A_348 {strides = array<i32>} : memref<512xi32, #tpu.memory_space<vmem>>, vector<16xi32>,
    %get3A_349 = arith.constant 352 : index
    %get3A_350 = tpu.vector_load %arg6[%get3A_349] {strides = array<i32>} : memref<512xi32, #tpu.memory_space<vmem>>, vector<16xi32>,
    %get3A_351 = vector.shape_cast %get3A_350 : vector<16xi32> to vector<16xi32>
    %eq3A_352 = arith.constant 1 : i32
    %eq3A_353 = vector.broadcast %eq3A_352 : i32 to vector<16xi32>
    %eq3A_354 = arith.cmpi eq, %get3A_351, %eq3A_353 : vector<16xi32>
    %get3A_355 = arith.constant 352 : index
    %get3A_356 = tpu.vector_load %arg5[%get3A_355] {strides = array<i32>} : memref<512xi32, #tpu.memory_space<vmem>>, vector<16xi32>,
    %get3A_357 = vector.shape_cast %get3A_356 : vector<16xi32> to vector<16xi32>
    %jit3A_358 = arith.constant 1000 : i32
    %broadcast_in_dim3A_359 = vector.broadcast %jit3A_358 : i32 to vector<16xi32>
    %select_n3A_360 = arith.select %eq3A_354, %broadcast_in_dim3A_359, %get3A_357 : vector<16xi1>, vector<16xi32>
    %swap3A_361 = arith.constant 352 : index
    %swap3A_362 = tpu.vector_load %arg7[%swap3A_361] {strides = array<i32>} : memref<512xi32, #tpu.memory_space<vmem>>, vector<16xi32>,
    %swap3A_363 = vector.shape_cast %swap3A_362 : vector<16xi32> to vector<16xi32>
    %swap3A_364 = vector.shape_cast %select_n3A_360 : vector<16xi32> to vector<16xi32>
    tpu.vector_store %arg7[%swap3A_361], %swap3A_364 {strides = array<i32>} : memref<512xi32, #tpu.memory_space<vmem>>, vector<16xi32>,
    %get3A_365 = arith.constant 368 : index
    %get3A_366 = tpu.vector_load %arg6[%get3A_365] {strides = array<i32>} : memref<512xi32, #tpu.memory_space<vmem>>, vector<16xi32>,
    %get3A_367 = vector.shape_cast %get3A_366 : vector<16xi32> to vector<16xi32>
    %eq3A_368 = arith.constant 1 : i32
    %eq3A_369 = vector.broadcast %eq3A_368 : i32 to vector<16xi32>
    %eq3A_370 = arith.cmpi eq, %get3A_367, %eq3A_369 : vector<16xi32>
    %get3A_371 = arith.constant 368 : index
    %get3A_372 = tpu.vector_load %arg5[%get3A_371] {strides = array<i32>} : memref<512xi32, #tpu.memory_space<vmem>>, vector<16xi32>,
    %get3A_373 = vector.shape_cast %get3A_372 : vector<16xi32> to vector<16xi32>
    %jit3A_374 = arith.constant 1000 : i32
    %broadcast_in_dim3A_375 = vector.broadcast %jit3A_374 : i32 to vector<16xi32>
    %select_n3A_376 = arith.select %eq3A_370, %broadcast_in_dim3A_375, %get3A_373 : vector<16xi1>, vector<16xi32>
    %swap3A_377 = arith.constant 368 : index
    %swap3A_378 = tpu.vector_load %arg7[%swap3A_377] {strides = array<i32>} : memref<512xi32, #tpu.memory_space<vmem>>, vector<16xi32>,
    %swap3A_379 = vector.shape_cast %swap3A_378 : vector<16xi32> to vector<16xi32>
    %swap3A_380 = vector.shape_cast %select_n3A_376 : vector<16xi32> to vector<16xi32>
    tpu.vector_store %arg7[%swap3A_377], %swap3A_380 {strides = array<i32>} : memref<512xi32, #tpu.memory_space<vmem>>, vector<16xi32>,
    %get3A_381 = arith.constant 384 : index
    %get3A_382 = tpu.vector_load %arg6[%get3A_381] {strides = array<i32>} : memref<512xi32, #tpu.memory_space<vmem>>, vector<16xi32>,
    %get3A_383 = vector.shape_cast %get3A_382 : vector<16xi32> to vector<16xi32>
    %eq3A_384 = arith.constant 1 : i32
    %eq3A_385 = vector.broadcast %eq3A_384 : i32 to vector<16xi32>
    %eq3A_386 = arith.cmpi eq, %get3A_383, %eq3A_385 : vector<16xi32>
    %get3A_387 = arith.constant 384 : index
    %get3A_388 = tpu.vector_load %arg5[%get3A_387] {strides = array<i32>} : memref<512xi32, #tpu.memory_space<vmem>>, vector<16xi32>,
    %get3A_389 = vector.shape_cast %get3A_388 : vector<16xi32> to vector<16xi32>
    %jit3A_390 = arith.constant 1000 : i32
    %broadcast_in_dim3A_391 = vector.broadcast %jit3A_390 : i32 to vector<16xi32>
    %select_n3A_392 = arith.select %eq3A_386, %broadcast_in_dim3A_391, %get3A_389 : vector<16xi1>, vector<16xi32>
    %swap3A_393 = arith.constant 384 : index
    %swap3A_394 = tpu.vector_load %arg7[%swap3A_393] {strides = array<i32>} : memref<512xi32, #tpu.memory_space<vmem>>, vector<16xi32>,
    %swap3A_395 = vector.shape_cast %swap3A_394 : vector<16xi32> to vector<16xi32>
    %swap3A_396 = vector.shape_cast %select_n3A_392 : vector<16xi32> to vector<16xi32>
    tpu.vector_store %arg7[%swap3A_393], %swap3A_396 {strides = array<i32>} : memref<512xi32, #tpu.memory_space<vmem>>, vector<16xi32>,
    %get3A_397 = arith.constant 400 : index
    %get3A_398 = tpu.vector_load %arg6[%get3A_397] {strides = array<i32>} : memref<512xi32, #tpu.memory_space<vmem>>, vector<16xi32>,
    %get3A_399 = vector.shape_cast %get3A_398 : vector<16xi32> to vector<16xi32>
    %eq3A_400 = arith.constant 1 : i32
    %eq3A_401 = vector.broadcast %eq3A_400 : i32 to vector<16xi32>
    %eq3A_402 = arith.cmpi eq, %get3A_399, %eq3A_401 : vector<16xi32>
    %get3A_403 = arith.constant 400 : index
    %get3A_404 = tpu.vector_load %arg5[%get3A_403] {strides = array<i32>} : memref<512xi32, #tpu.memory_space<vmem>>, vector<16xi32>,
    %get3A_405 = vector.shape_cast %get3A_404 : vector<16xi32> to vector<16xi32>
    %jit3A_406 = arith.constant 1000 : i32
    %broadcast_in_dim3A_407 = vector.broadcast %jit3A_406 : i32 to vector<16xi32>
    %select_n3A_408 = arith.select %eq3A_402, %broadcast_in_dim3A_407, %get3A_405 : vector<16xi1>, vector<16xi32>
    %swap3A_409 = arith.constant 400 : index
    %swap3A_410 = tpu.vector_load %arg7[%swap3A_409] {strides = array<i32>} : memref<512xi32, #tpu.memory_space<vmem>>, vector<16xi32>,
    %swap3A_411 = vector.shape_cast %swap3A_410 : vector<16xi32> to vector<16xi32>
    %swap3A_412 = vector.shape_cast %select_n3A_408 : vector<16xi32> to vector<16xi32>
    tpu.vector_store %arg7[%swap3A_409], %swap3A_412 {strides = array<i32>} : memref<512xi32, #tpu.memory_space<vmem>>, vector<16xi32>,
    %get3A_413 = arith.constant 416 : index
    %get3A_414 = tpu.vector_load %arg6[%get3A_413] {strides = array<i32>} : memref<512xi32, #tpu.memory_space<vmem>>, vector<16xi32>,
    %get3A_415 = vector.shape_cast %get3A_414 : vector<16xi32> to vector<16xi32>
    %eq3A_416 = arith.constant 1 : i32
    %eq3A_417 = vector.broadcast %eq3A_416 : i32 to vector<16xi32>
    %eq3A_418 = arith.cmpi eq, %get3A_415, %eq3A_417 : vector<16xi32>
    %get3A_419 = arith.constant 416 : index
    %get3A_420 = tpu.vector_load %arg5[%get3A_419] {strides = array<i32>} : memref<512xi32, #tpu.memory_space<vmem>>, vector<16xi32>,
    %get3A_421 = vector.shape_cast %get3A_420 : vector<16xi32> to vector<16xi32>
    %jit3A_422 = arith.constant 1000 : i32
    %broadcast_in_dim3A_423 = vector.broadcast %jit3A_422 : i32 to vector<16xi32>
    %select_n3A_424 = arith.select %eq3A_418, %broadcast_in_dim3A_423, %get3A_421 : vector<16xi1>, vector<16xi32>
    %swap3A_425 = arith.constant 416 : index
    %swap3A_426 = tpu.vector_load %arg7[%swap3A_425] {strides = array<i32>} : memref<512xi32, #tpu.memory_space<vmem>>, vector<16xi32>,
    %swap3A_427 = vector.shape_cast %swap3A_426 : vector<16xi32> to vector<16xi32>
    %swap3A_428 = vector.shape_cast %select_n3A_424 : vector<16xi32> to vector<16xi32>
    tpu.vector_store %arg7[%swap3A_425], %swap3A_428 {strides = array<i32>} : memref<512xi32, #tpu.memory_space<vmem>>, vector<16xi32>,
    %get3A_429 = arith.constant 432 : index
    %get3A_430 = tpu.vector_load %arg6[%get3A_429] {strides = array<i32>} : memref<512xi32, #tpu.memory_space<vmem>>, vector<16xi32>,
    %get3A_431 = vector.shape_cast %get3A_430 : vector<16xi32> to vector<16xi32>
    %eq3A_432 = arith.constant 1 : i32
    %eq3A_433 = vector.broadcast %eq3A_432 : i32 to vector<16xi32>
    %eq3A_434 = arith.cmpi eq, %get3A_431, %eq3A_433 : vector<16xi32>
    %get3A_435 = arith.constant 432 : index
    %get3A_436 = tpu.vector_load %arg5[%get3A_435] {strides = array<i32>} : memref<512xi32, #tpu.memory_space<vmem>>, vector<16xi32>,
    %get3A_437 = vector.shape_cast %get3A_436 : vector<16xi32> to vector<16xi32>
    %jit3A_438 = arith.constant 1000 : i32
    %broadcast_in_dim3A_439 = vector.broadcast %jit3A_438 : i32 to vector<16xi32>
    %select_n3A_440 = arith.select %eq3A_434, %broadcast_in_dim3A_439, %get3A_437 : vector<16xi1>, vector<16xi32>
    %swap3A_441 = arith.constant 432 : index
    %swap3A_442 = tpu.vector_load %arg7[%swap3A_441] {strides = array<i32>} : memref<512xi32, #tpu.memory_space<vmem>>, vector<16xi32>,
    %swap3A_443 = vector.shape_cast %swap3A_442 : vector<16xi32> to vector<16xi32>
    %swap3A_444 = vector.shape_cast %select_n3A_440 : vector<16xi32> to vector<16xi32>
    tpu.vector_store %arg7[%swap3A_441], %swap3A_444 {strides = array<i32>} : memref<512xi32, #tpu.memory_space<vmem>>, vector<16xi32>,
    %get3A_445 = arith.constant 448 : index
    %get3A_446 = tpu.vector_load %arg6[%get3A_445] {strides = array<i32>} : memref<512xi32, #tpu.memory_space<vmem>>, vector<16xi32>,
    %get3A_447 = vector.shape_cast %get3A_446 : vector<16xi32> to vector<16xi32>
    %eq3A_448 = arith.constant 1 : i32
    %eq3A_449 = vector.broadcast %eq3A_448 : i32 to vector<16xi32>
    %eq3A_450 = arith.cmpi eq, %get3A_447, %eq3A_449 : vector<16xi32>
    %get3A_451 = arith.constant 448 : index
    %get3A_452 = tpu.vector_load %arg5[%get3A_451] {strides = array<i32>} : memref<512xi32, #tpu.memory_space<vmem>>, vector<16xi32>,
    %get3A_453 = vector.shape_cast %get3A_452 : vector<16xi32> to vector<16xi32>
    %jit3A_454 = arith.constant 1000 : i32
    %broadcast_in_dim3A_455 = vector.broadcast %jit3A_454 : i32 to vector<16xi32>
    %select_n3A_456 = arith.select %eq3A_450, %broadcast_in_dim3A_455, %get3A_453 : vector<16xi1>, vector<16xi32>
    %swap3A_457 = arith.constant 448 : index
    %swap3A_458 = tpu.vector_load %arg7[%swap3A_457] {strides = array<i32>} : memref<512xi32, #tpu.memory_space<vmem>>, vector<16xi32>,
    %swap3A_459 = vector.shape_cast %swap3A_458 : vector<16xi32> to vector<16xi32>
    %swap3A_460 = vector.shape_cast %select_n3A_456 : vector<16xi32> to vector<16xi32>
    tpu.vector_store %arg7[%swap3A_457], %swap3A_460 {strides = array<i32>} : memref<512xi32, #tpu.memory_space<vmem>>, vector<16xi32>,
    %get3A_461 = arith.constant 464 : index
    %get3A_462 = tpu.vector_load %arg6[%get3A_461] {strides = array<i32>} : memref<512xi32, #tpu.memory_space<vmem>>, vector<16xi32>,
    %get3A_463 = vector.shape_cast %get3A_462 : vector<16xi32> to vector<16xi32>
    %eq3A_464 = arith.constant 1 : i32
    %eq3A_465 = vector.broadcast %eq3A_464 : i32 to vector<16xi32>
    %eq3A_466 = arith.cmpi eq, %get3A_463, %eq3A_465 : vector<16xi32>
    %get3A_467 = arith.constant 464 : index
    %get3A_468 = tpu.vector_load %arg5[%get3A_467] {strides = array<i32>} : memref<512xi32, #tpu.memory_space<vmem>>, vector<16xi32>,
    %get3A_469 = vector.shape_cast %get3A_468 : vector<16xi32> to vector<16xi32>
    %jit3A_470 = arith.constant 1000 : i32
    %broadcast_in_dim3A_471 = vector.broadcast %jit3A_470 : i32 to vector<16xi32>
    %select_n3A_472 = arith.select %eq3A_466, %broadcast_in_dim3A_471, %get3A_469 : vector<16xi1>, vector<16xi32>
    %swap3A_473 = arith.constant 464 : index
    %swap3A_474 = tpu.vector_load %arg7[%swap3A_473] {strides = array<i32>} : memref<512xi32, #tpu.memory_space<vmem>>, vector<16xi32>,
    %swap3A_475 = vector.shape_cast %swap3A_474 : vector<16xi32> to vector<16xi32>
    %swap3A_476 = vector.shape_cast %select_n3A_472 : vector<16xi32> to vector<16xi32>
    tpu.vector_store %arg7[%swap3A_473], %swap3A_476 {strides = array<i32>} : memref<512xi32, #tpu.memory_space<vmem>>, vector<16xi32>,
    %get3A_477 = arith.constant 480 : index
    %get3A_478 = tpu.vector_load %arg6[%get3A_477] {strides = array<i32>} : memref<512xi32, #tpu.memory_space<vmem>>, vector<16xi32>,
    %get3A_479 = vector.shape_cast %get3A_478 : vector<16xi32> to vector<16xi32>
    %eq3A_480 = arith.constant 1 : i32
    %eq3A_481 = vector.broadcast %eq3A_480 : i32 to vector<16xi32>
    %eq3A_482 = arith.cmpi eq, %get3A_479, %eq3A_481 : vector<16xi32>
    %get3A_483 = arith.constant 480 : index
    %get3A_484 = tpu.vector_load %arg5[%get3A_483] {strides = array<i32>} : memref<512xi32, #tpu.memory_space<vmem>>, vector<16xi32>,
    %get3A_485 = vector.shape_cast %get3A_484 : vector<16xi32> to vector<16xi32>
    %jit3A_486 = arith.constant 1000 : i32
    %broadcast_in_dim3A_487 = vector.broadcast %jit3A_486 : i32 to vector<16xi32>
    %select_n3A_488 = arith.select %eq3A_482, %broadcast_in_dim3A_487, %get3A_485 : vector<16xi1>, vector<16xi32>
    %swap3A_489 = arith.constant 480 : index
    %swap3A_490 = tpu.vector_load %arg7[%swap3A_489] {strides = array<i32>} : memref<512xi32, #tpu.memory_space<vmem>>, vector<16xi32>,
    %swap3A_491 = vector.shape_cast %swap3A_490 : vector<16xi32> to vector<16xi32>
    %swap3A_492 = vector.shape_cast %select_n3A_488 : vector<16xi32> to vector<16xi32>
    tpu.vector_store %arg7[%swap3A_489], %swap3A_492 {strides = array<i32>} : memref<512xi32, #tpu.memory_space<vmem>>, vector<16xi32>,
    %get3A_493 = arith.constant 496 : index
    %get3A_494 = tpu.vector_load %arg6[%get3A_493] {strides = array<i32>} : memref<512xi32, #tpu.memory_space<vmem>>, vector<16xi32>,
    %get3A_495 = vector.shape_cast %get3A_494 : vector<16xi32> to vector<16xi32>
    %eq3A_496 = arith.constant 1 : i32
    %eq3A_497 = vector.broadcast %eq3A_496 : i32 to vector<16xi32>
    %eq3A_498 = arith.cmpi eq, %get3A_495, %eq3A_497 : vector<16xi32>
    %get3A_499 = arith.constant 496 : index
    %get3A_500 = tpu.vector_load %arg5[%get3A_499] {strides = array<i32>} : memref<512xi32, #tpu.memory_space<vmem>>, vector<16xi32>,
    %get3A_501 = vector.shape_cast %get3A_500 : vector<16xi32> to vector<16xi32>
    %jit3A_502 = arith.constant 1000 : i32
    %broadcast_in_dim3A_503 = vector.broadcast %jit3A_502 : i32 to vector<16xi32>
    %select_n3A_504 = arith.select %eq3A_498, %broadcast_in_dim3A_503, %get3A_501 : vector<16xi1>, vector<16xi32>
    %swap3A_505 = arith.constant 496 : index
    %swap3A_506 = tpu.vector_load %arg7[%swap3A_505] {strides = array<i32>} : memref<512xi32, #tpu.memory_space<vmem>>, vector<16xi32>,
    %swap3A_507 = vector.shape_cast %swap3A_506 : vector<16xi32> to vector<16xi32>
    %swap3A_508 = vector.shape_cast %select_n3A_504 : vector<16xi32> to vector<16xi32>
    tpu.vector_store %arg7[%swap3A_505], %swap3A_508 {strides = array<i32>} : memref<512xi32, #tpu.memory_space<vmem>>, vector<16xi32>,
    "tpu.region"() ({
      %run_scoped3A = tpu.sem_alloc : memref<!tpu.dma_semaphore, #tpu.memory_space<semaphore_mem>>
      %dma_start3A = tpu.memref_slice %arg4[%mul3A_2] : memref<16384xi32, #tpu.memory_space<hbm>> -> memref<512xi32, #tpu.memory_space<hbm>>
      %dma_start3A_509 = tpu.memref_slice %arg4[%mul3A_2] : memref<16384xi32, #tpu.memory_space<hbm>> -> memref<512xi32, #tpu.memory_space<hbm>>
      tpu.enqueue_dma source(%arg7 : memref<512xi32, #tpu.memory_space<vmem>>) target(%dma_start3A_509 : memref<512xi32, #tpu.memory_space<hbm>>) target_semaphore(%run_scoped3A : memref<!tpu.dma_semaphore, #tpu.memory_space<semaphore_mem>>)
      %dma_wait3A = tpu.memref_slice %arg4[%mul3A_2] : memref<16384xi32, #tpu.memory_space<hbm>> -> memref<512xi32, #tpu.memory_space<hbm>>
      %dma_wait3A_510 = tpu.memref_slice %arg4[%mul3A_2] : memref<16384xi32, #tpu.memory_space<hbm>> -> memref<512xi32, #tpu.memory_space<hbm>>
      tpu.wait_dma2 semaphore(%run_scoped3A : memref<!tpu.dma_semaphore, #tpu.memory_space<semaphore_mem>>) src(%arg7 : memref<512xi32, #tpu.memory_space<vmem>>) dst(%dma_wait3A_510 : memref<512xi32, #tpu.memory_space<hbm>>)
      tpu.yield
    }) : () -> ()
    return
  }
}

module attributes {stable_mosaic.version = 14 : i64} {
  func.func @body(%arg0: i32, %arg1: memref<16384xi32, #tpu.memory_space<smem>>, %arg2: memref<1001x1024xf32, #tpu.memory_space<vmem>>, %arg3: memref<512x1024xf32, #tpu.memory_space<vmem>>) attributes {dimension_semantics = [#tpu.dimension_semantics<arbitrary>], iteration_bounds = array<i64: 32>, scalar_prefetch = 1 : i64, scratch_operands = 0 : i64, tpu.core_type = #tpu.core_type<tc>, window_params = [{pipeline_mode = #tpu.pipeline_mode<synchronous>, transform_indices = @transform_0, window_bounds = array<i64: 1001, 1024>}, {transform_indices = @transform_1, window_bounds = array<i64: 512, 1024>}]} {
    %scan3A = arith.constant 0 : i32
    %scan3A_0 = arith.constant 512 : i32
    %scan3A_1 = arith.addi %scan3A, %scan3A_0 : i32
    %scan3A_2 = arith.constant 32 : i32
    scf.for %scan3A_4 = %scan3A to %scan3A_1 step %scan3A_2  : i32 {
      %mul3A = arith.constant 512 : i32
      %mul3A_5 = arith.muli %arg0, %mul3A : i32
      %add3A = arith.addi %mul3A_5, %scan3A_4 : i32
      %get3A = arith.index_cast %add3A : i32 to index
      %get3A_6 = memref.load %arg1[%get3A] : memref<16384xi32, #tpu.memory_space<smem>>
      %get3A_7 = arith.index_cast %get3A_6 : i32 to index
      %get3A_8 = arith.constant 0 : index
      %get3A_9 = vector.load %arg2[%get3A_7, %get3A_8] : memref<1001x1024xf32, #tpu.memory_space<vmem>>, vector<1x1024xf32>
      %swap3A = arith.index_cast %scan3A_4 : i32 to index
      %swap3A_10 = arith.constant 0 : index
      %swap3A_11 = vector.load %arg3[%swap3A, %swap3A_10] : memref<512x1024xf32, #tpu.memory_space<vmem>>, vector<1x1024xf32>
      tpu.vector_store %arg3[%swap3A, %swap3A_10], %get3A_9 {strides = array<i32>} : memref<512x1024xf32, #tpu.memory_space<vmem>>, vector<1x1024xf32>,
      %scan3A_12 = arith.constant 1 : i32
      %scan3A_13 = arith.addi %scan3A_4, %scan3A_12 : i32
      %mul3A_14 = arith.constant 512 : i32
      %mul3A_15 = arith.muli %arg0, %mul3A_14 : i32
      %add3A_16 = arith.addi %mul3A_15, %scan3A_13 : i32
      %get3A_17 = arith.index_cast %add3A_16 : i32 to index
      %get3A_18 = memref.load %arg1[%get3A_17] : memref<16384xi32, #tpu.memory_space<smem>>
      %get3A_19 = arith.index_cast %get3A_18 : i32 to index
      %get3A_20 = arith.constant 0 : index
      %get3A_21 = vector.load %arg2[%get3A_19, %get3A_20] : memref<1001x1024xf32, #tpu.memory_space<vmem>>, vector<1x1024xf32>
      %swap3A_22 = arith.index_cast %scan3A_13 : i32 to index
      %swap3A_23 = arith.constant 0 : index
      %swap3A_24 = vector.load %arg3[%swap3A_22, %swap3A_23] : memref<512x1024xf32, #tpu.memory_space<vmem>>, vector<1x1024xf32>
      tpu.vector_store %arg3[%swap3A_22, %swap3A_23], %get3A_21 {strides = array<i32>} : memref<512x1024xf32, #tpu.memory_space<vmem>>, vector<1x1024xf32>,
      %scan3A_25 = arith.constant 2 : i32
      %scan3A_26 = arith.addi %scan3A_4, %scan3A_25 : i32
      %mul3A_27 = arith.constant 512 : i32
      %mul3A_28 = arith.muli %arg0, %mul3A_27 : i32
      %add3A_29 = arith.addi %mul3A_28, %scan3A_26 : i32
      %get3A_30 = arith.index_cast %add3A_29 : i32 to index
      %get3A_31 = memref.load %arg1[%get3A_30] : memref<16384xi32, #tpu.memory_space<smem>>
      %get3A_32 = arith.index_cast %get3A_31 : i32 to index
      %get3A_33 = arith.constant 0 : index
      %get3A_34 = vector.load %arg2[%get3A_32, %get3A_33] : memref<1001x1024xf32, #tpu.memory_space<vmem>>, vector<1x1024xf32>
      %swap3A_35 = arith.index_cast %scan3A_26 : i32 to index
      %swap3A_36 = arith.constant 0 : index
      %swap3A_37 = vector.load %arg3[%swap3A_35, %swap3A_36] : memref<512x1024xf32, #tpu.memory_space<vmem>>, vector<1x1024xf32>
      tpu.vector_store %arg3[%swap3A_35, %swap3A_36], %get3A_34 {strides = array<i32>} : memref<512x1024xf32, #tpu.memory_space<vmem>>, vector<1x1024xf32>,
      %scan3A_38 = arith.constant 3 : i32
      %scan3A_39 = arith.addi %scan3A_4, %scan3A_38 : i32
      %mul3A_40 = arith.constant 512 : i32
      %mul3A_41 = arith.muli %arg0, %mul3A_40 : i32
      %add3A_42 = arith.addi %mul3A_41, %scan3A_39 : i32
      %get3A_43 = arith.index_cast %add3A_42 : i32 to index
      %get3A_44 = memref.load %arg1[%get3A_43] : memref<16384xi32, #tpu.memory_space<smem>>
      %get3A_45 = arith.index_cast %get3A_44 : i32 to index
      %get3A_46 = arith.constant 0 : index
      %get3A_47 = vector.load %arg2[%get3A_45, %get3A_46] : memref<1001x1024xf32, #tpu.memory_space<vmem>>, vector<1x1024xf32>
      %swap3A_48 = arith.index_cast %scan3A_39 : i32 to index
      %swap3A_49 = arith.constant 0 : index
      %swap3A_50 = vector.load %arg3[%swap3A_48, %swap3A_49] : memref<512x1024xf32, #tpu.memory_space<vmem>>, vector<1x1024xf32>
      tpu.vector_store %arg3[%swap3A_48, %swap3A_49], %get3A_47 {strides = array<i32>} : memref<512x1024xf32, #tpu.memory_space<vmem>>, vector<1x1024xf32>,
      %scan3A_51 = arith.constant 4 : i32
      %scan3A_52 = arith.addi %scan3A_4, %scan3A_51 : i32
      %mul3A_53 = arith.constant 512 : i32
      %mul3A_54 = arith.muli %arg0, %mul3A_53 : i32
      %add3A_55 = arith.addi %mul3A_54, %scan3A_52 : i32
      %get3A_56 = arith.index_cast %add3A_55 : i32 to index
      %get3A_57 = memref.load %arg1[%get3A_56] : memref<16384xi32, #tpu.memory_space<smem>>
      %get3A_58 = arith.index_cast %get3A_57 : i32 to index
      %get3A_59 = arith.constant 0 : index
      %get3A_60 = vector.load %arg2[%get3A_58, %get3A_59] : memref<1001x1024xf32, #tpu.memory_space<vmem>>, vector<1x1024xf32>
      %swap3A_61 = arith.index_cast %scan3A_52 : i32 to index
      %swap3A_62 = arith.constant 0 : index
      %swap3A_63 = vector.load %arg3[%swap3A_61, %swap3A_62] : memref<512x1024xf32, #tpu.memory_space<vmem>>, vector<1x1024xf32>
      tpu.vector_store %arg3[%swap3A_61, %swap3A_62], %get3A_60 {strides = array<i32>} : memref<512x1024xf32, #tpu.memory_space<vmem>>, vector<1x1024xf32>,
      %scan3A_64 = arith.constant 5 : i32
      %scan3A_65 = arith.addi %scan3A_4, %scan3A_64 : i32
      %mul3A_66 = arith.constant 512 : i32
      %mul3A_67 = arith.muli %arg0, %mul3A_66 : i32
      %add3A_68 = arith.addi %mul3A_67, %scan3A_65 : i32
      %get3A_69 = arith.index_cast %add3A_68 : i32 to index
      %get3A_70 = memref.load %arg1[%get3A_69] : memref<16384xi32, #tpu.memory_space<smem>>
      %get3A_71 = arith.index_cast %get3A_70 : i32 to index
      %get3A_72 = arith.constant 0 : index
      %get3A_73 = vector.load %arg2[%get3A_71, %get3A_72] : memref<1001x1024xf32, #tpu.memory_space<vmem>>, vector<1x1024xf32>
      %swap3A_74 = arith.index_cast %scan3A_65 : i32 to index
      %swap3A_75 = arith.constant 0 : index
      %swap3A_76 = vector.load %arg3[%swap3A_74, %swap3A_75] : memref<512x1024xf32, #tpu.memory_space<vmem>>, vector<1x1024xf32>
      tpu.vector_store %arg3[%swap3A_74, %swap3A_75], %get3A_73 {strides = array<i32>} : memref<512x1024xf32, #tpu.memory_space<vmem>>, vector<1x1024xf32>,
      %scan3A_77 = arith.constant 6 : i32
      %scan3A_78 = arith.addi %scan3A_4, %scan3A_77 : i32
      %mul3A_79 = arith.constant 512 : i32
      %mul3A_80 = arith.muli %arg0, %mul3A_79 : i32
      %add3A_81 = arith.addi %mul3A_80, %scan3A_78 : i32
      %get3A_82 = arith.index_cast %add3A_81 : i32 to index
      %get3A_83 = memref.load %arg1[%get3A_82] : memref<16384xi32, #tpu.memory_space<smem>>
      %get3A_84 = arith.index_cast %get3A_83 : i32 to index
      %get3A_85 = arith.constant 0 : index
      %get3A_86 = vector.load %arg2[%get3A_84, %get3A_85] : memref<1001x1024xf32, #tpu.memory_space<vmem>>, vector<1x1024xf32>
      %swap3A_87 = arith.index_cast %scan3A_78 : i32 to index
      %swap3A_88 = arith.constant 0 : index
      %swap3A_89 = vector.load %arg3[%swap3A_87, %swap3A_88] : memref<512x1024xf32, #tpu.memory_space<vmem>>, vector<1x1024xf32>
      tpu.vector_store %arg3[%swap3A_87, %swap3A_88], %get3A_86 {strides = array<i32>} : memref<512x1024xf32, #tpu.memory_space<vmem>>, vector<1x1024xf32>,
      %scan3A_90 = arith.constant 7 : i32
      %scan3A_91 = arith.addi %scan3A_4, %scan3A_90 : i32
      %mul3A_92 = arith.constant 512 : i32
      %mul3A_93 = arith.muli %arg0, %mul3A_92 : i32
      %add3A_94 = arith.addi %mul3A_93, %scan3A_91 : i32
      %get3A_95 = arith.index_cast %add3A_94 : i32 to index
      %get3A_96 = memref.load %arg1[%get3A_95] : memref<16384xi32, #tpu.memory_space<smem>>
      %get3A_97 = arith.index_cast %get3A_96 : i32 to index
      %get3A_98 = arith.constant 0 : index
      %get3A_99 = vector.load %arg2[%get3A_97, %get3A_98] : memref<1001x1024xf32, #tpu.memory_space<vmem>>, vector<1x1024xf32>
      %swap3A_100 = arith.index_cast %scan3A_91 : i32 to index
      %swap3A_101 = arith.constant 0 : index
      %swap3A_102 = vector.load %arg3[%swap3A_100, %swap3A_101] : memref<512x1024xf32, #tpu.memory_space<vmem>>, vector<1x1024xf32>
      tpu.vector_store %arg3[%swap3A_100, %swap3A_101], %get3A_99 {strides = array<i32>} : memref<512x1024xf32, #tpu.memory_space<vmem>>, vector<1x1024xf32>,
      %scan3A_103 = arith.constant 8 : i32
      %scan3A_104 = arith.addi %scan3A_4, %scan3A_103 : i32
      %mul3A_105 = arith.constant 512 : i32
      %mul3A_106 = arith.muli %arg0, %mul3A_105 : i32
      %add3A_107 = arith.addi %mul3A_106, %scan3A_104 : i32
      %get3A_108 = arith.index_cast %add3A_107 : i32 to index
      %get3A_109 = memref.load %arg1[%get3A_108] : memref<16384xi32, #tpu.memory_space<smem>>
      %get3A_110 = arith.index_cast %get3A_109 : i32 to index
      %get3A_111 = arith.constant 0 : index
      %get3A_112 = vector.load %arg2[%get3A_110, %get3A_111] : memref<1001x1024xf32, #tpu.memory_space<vmem>>, vector<1x1024xf32>
      %swap3A_113 = arith.index_cast %scan3A_104 : i32 to index
      %swap3A_114 = arith.constant 0 : index
      %swap3A_115 = vector.load %arg3[%swap3A_113, %swap3A_114] : memref<512x1024xf32, #tpu.memory_space<vmem>>, vector<1x1024xf32>
      tpu.vector_store %arg3[%swap3A_113, %swap3A_114], %get3A_112 {strides = array<i32>} : memref<512x1024xf32, #tpu.memory_space<vmem>>, vector<1x1024xf32>,
      %scan3A_116 = arith.constant 9 : i32
      %scan3A_117 = arith.addi %scan3A_4, %scan3A_116 : i32
      %mul3A_118 = arith.constant 512 : i32
      %mul3A_119 = arith.muli %arg0, %mul3A_118 : i32
      %add3A_120 = arith.addi %mul3A_119, %scan3A_117 : i32
      %get3A_121 = arith.index_cast %add3A_120 : i32 to index
      %get3A_122 = memref.load %arg1[%get3A_121] : memref<16384xi32, #tpu.memory_space<smem>>
      %get3A_123 = arith.index_cast %get3A_122 : i32 to index
      %get3A_124 = arith.constant 0 : index
      %get3A_125 = vector.load %arg2[%get3A_123, %get3A_124] : memref<1001x1024xf32, #tpu.memory_space<vmem>>, vector<1x1024xf32>
      %swap3A_126 = arith.index_cast %scan3A_117 : i32 to index
      %swap3A_127 = arith.constant 0 : index
      %swap3A_128 = vector.load %arg3[%swap3A_126, %swap3A_127] : memref<512x1024xf32, #tpu.memory_space<vmem>>, vector<1x1024xf32>
      tpu.vector_store %arg3[%swap3A_126, %swap3A_127], %get3A_125 {strides = array<i32>} : memref<512x1024xf32, #tpu.memory_space<vmem>>, vector<1x1024xf32>,
      %scan3A_129 = arith.constant 10 : i32
      %scan3A_130 = arith.addi %scan3A_4, %scan3A_129 : i32
      %mul3A_131 = arith.constant 512 : i32
      %mul3A_132 = arith.muli %arg0, %mul3A_131 : i32
      %add3A_133 = arith.addi %mul3A_132, %scan3A_130 : i32
      %get3A_134 = arith.index_cast %add3A_133 : i32 to index
      %get3A_135 = memref.load %arg1[%get3A_134] : memref<16384xi32, #tpu.memory_space<smem>>
      %get3A_136 = arith.index_cast %get3A_135 : i32 to index
      %get3A_137 = arith.constant 0 : index
      %get3A_138 = vector.load %arg2[%get3A_136, %get3A_137] : memref<1001x1024xf32, #tpu.memory_space<vmem>>, vector<1x1024xf32>
      %swap3A_139 = arith.index_cast %scan3A_130 : i32 to index
      %swap3A_140 = arith.constant 0 : index
      %swap3A_141 = vector.load %arg3[%swap3A_139, %swap3A_140] : memref<512x1024xf32, #tpu.memory_space<vmem>>, vector<1x1024xf32>
      tpu.vector_store %arg3[%swap3A_139, %swap3A_140], %get3A_138 {strides = array<i32>} : memref<512x1024xf32, #tpu.memory_space<vmem>>, vector<1x1024xf32>,
      %scan3A_142 = arith.constant 11 : i32
      %scan3A_143 = arith.addi %scan3A_4, %scan3A_142 : i32
      %mul3A_144 = arith.constant 512 : i32
      %mul3A_145 = arith.muli %arg0, %mul3A_144 : i32
      %add3A_146 = arith.addi %mul3A_145, %scan3A_143 : i32
      %get3A_147 = arith.index_cast %add3A_146 : i32 to index
      %get3A_148 = memref.load %arg1[%get3A_147] : memref<16384xi32, #tpu.memory_space<smem>>
      %get3A_149 = arith.index_cast %get3A_148 : i32 to index
      %get3A_150 = arith.constant 0 : index
      %get3A_151 = vector.load %arg2[%get3A_149, %get3A_150] : memref<1001x1024xf32, #tpu.memory_space<vmem>>, vector<1x1024xf32>
      %swap3A_152 = arith.index_cast %scan3A_143 : i32 to index
      %swap3A_153 = arith.constant 0 : index
      %swap3A_154 = vector.load %arg3[%swap3A_152, %swap3A_153] : memref<512x1024xf32, #tpu.memory_space<vmem>>, vector<1x1024xf32>
      tpu.vector_store %arg3[%swap3A_152, %swap3A_153], %get3A_151 {strides = array<i32>} : memref<512x1024xf32, #tpu.memory_space<vmem>>, vector<1x1024xf32>,
      %scan3A_155 = arith.constant 12 : i32
      %scan3A_156 = arith.addi %scan3A_4, %scan3A_155 : i32
      %mul3A_157 = arith.constant 512 : i32
      %mul3A_158 = arith.muli %arg0, %mul3A_157 : i32
      %add3A_159 = arith.addi %mul3A_158, %scan3A_156 : i32
      %get3A_160 = arith.index_cast %add3A_159 : i32 to index
      %get3A_161 = memref.load %arg1[%get3A_160] : memref<16384xi32, #tpu.memory_space<smem>>
      %get3A_162 = arith.index_cast %get3A_161 : i32 to index
      %get3A_163 = arith.constant 0 : index
      %get3A_164 = vector.load %arg2[%get3A_162, %get3A_163] : memref<1001x1024xf32, #tpu.memory_space<vmem>>, vector<1x1024xf32>
      %swap3A_165 = arith.index_cast %scan3A_156 : i32 to index
      %swap3A_166 = arith.constant 0 : index
      %swap3A_167 = vector.load %arg3[%swap3A_165, %swap3A_166] : memref<512x1024xf32, #tpu.memory_space<vmem>>, vector<1x1024xf32>
      tpu.vector_store %arg3[%swap3A_165, %swap3A_166], %get3A_164 {strides = array<i32>} : memref<512x1024xf32, #tpu.memory_space<vmem>>, vector<1x1024xf32>,
      %scan3A_168 = arith.constant 13 : i32
      %scan3A_169 = arith.addi %scan3A_4, %scan3A_168 : i32
      %mul3A_170 = arith.constant 512 : i32
      %mul3A_171 = arith.muli %arg0, %mul3A_170 : i32
      %add3A_172 = arith.addi %mul3A_171, %scan3A_169 : i32
      %get3A_173 = arith.index_cast %add3A_172 : i32 to index
      %get3A_174 = memref.load %arg1[%get3A_173] : memref<16384xi32, #tpu.memory_space<smem>>
      %get3A_175 = arith.index_cast %get3A_174 : i32 to index
      %get3A_176 = arith.constant 0 : index
      %get3A_177 = vector.load %arg2[%get3A_175, %get3A_176] : memref<1001x1024xf32, #tpu.memory_space<vmem>>, vector<1x1024xf32>
      %swap3A_178 = arith.index_cast %scan3A_169 : i32 to index
      %swap3A_179 = arith.constant 0 : index
      %swap3A_180 = vector.load %arg3[%swap3A_178, %swap3A_179] : memref<512x1024xf32, #tpu.memory_space<vmem>>, vector<1x1024xf32>
      tpu.vector_store %arg3[%swap3A_178, %swap3A_179], %get3A_177 {strides = array<i32>} : memref<512x1024xf32, #tpu.memory_space<vmem>>, vector<1x1024xf32>,
      %scan3A_181 = arith.constant 14 : i32
      %scan3A_182 = arith.addi %scan3A_4, %scan3A_181 : i32
      %mul3A_183 = arith.constant 512 : i32
      %mul3A_184 = arith.muli %arg0, %mul3A_183 : i32
      %add3A_185 = arith.addi %mul3A_184, %scan3A_182 : i32
      %get3A_186 = arith.index_cast %add3A_185 : i32 to index
      %get3A_187 = memref.load %arg1[%get3A_186] : memref<16384xi32, #tpu.memory_space<smem>>
      %get3A_188 = arith.index_cast %get3A_187 : i32 to index
      %get3A_189 = arith.constant 0 : index
      %get3A_190 = vector.load %arg2[%get3A_188, %get3A_189] : memref<1001x1024xf32, #tpu.memory_space<vmem>>, vector<1x1024xf32>
      %swap3A_191 = arith.index_cast %scan3A_182 : i32 to index
      %swap3A_192 = arith.constant 0 : index
      %swap3A_193 = vector.load %arg3[%swap3A_191, %swap3A_192] : memref<512x1024xf32, #tpu.memory_space<vmem>>, vector<1x1024xf32>
      tpu.vector_store %arg3[%swap3A_191, %swap3A_192], %get3A_190 {strides = array<i32>} : memref<512x1024xf32, #tpu.memory_space<vmem>>, vector<1x1024xf32>,
      %scan3A_194 = arith.constant 15 : i32
      %scan3A_195 = arith.addi %scan3A_4, %scan3A_194 : i32
      %mul3A_196 = arith.constant 512 : i32
      %mul3A_197 = arith.muli %arg0, %mul3A_196 : i32
      %add3A_198 = arith.addi %mul3A_197, %scan3A_195 : i32
      %get3A_199 = arith.index_cast %add3A_198 : i32 to index
      %get3A_200 = memref.load %arg1[%get3A_199] : memref<16384xi32, #tpu.memory_space<smem>>
      %get3A_201 = arith.index_cast %get3A_200 : i32 to index
      %get3A_202 = arith.constant 0 : index
      %get3A_203 = vector.load %arg2[%get3A_201, %get3A_202] : memref<1001x1024xf32, #tpu.memory_space<vmem>>, vector<1x1024xf32>
      %swap3A_204 = arith.index_cast %scan3A_195 : i32 to index
      %swap3A_205 = arith.constant 0 : index
      %swap3A_206 = vector.load %arg3[%swap3A_204, %swap3A_205] : memref<512x1024xf32, #tpu.memory_space<vmem>>, vector<1x1024xf32>
      tpu.vector_store %arg3[%swap3A_204, %swap3A_205], %get3A_203 {strides = array<i32>} : memref<512x1024xf32, #tpu.memory_space<vmem>>, vector<1x1024xf32>,
      %scan3A_207 = arith.constant 16 : i32
      %scan3A_208 = arith.addi %scan3A_4, %scan3A_207 : i32
      %mul3A_209 = arith.constant 512 : i32
      %mul3A_210 = arith.muli %arg0, %mul3A_209 : i32
      %add3A_211 = arith.addi %mul3A_210, %scan3A_208 : i32
      %get3A_212 = arith.index_cast %add3A_211 : i32 to index
      %get3A_213 = memref.load %arg1[%get3A_212] : memref<16384xi32, #tpu.memory_space<smem>>
      %get3A_214 = arith.index_cast %get3A_213 : i32 to index
      %get3A_215 = arith.constant 0 : index
      %get3A_216 = vector.load %arg2[%get3A_214, %get3A_215] : memref<1001x1024xf32, #tpu.memory_space<vmem>>, vector<1x1024xf32>
      %swap3A_217 = arith.index_cast %scan3A_208 : i32 to index
      %swap3A_218 = arith.constant 0 : index
      %swap3A_219 = vector.load %arg3[%swap3A_217, %swap3A_218] : memref<512x1024xf32, #tpu.memory_space<vmem>>, vector<1x1024xf32>
      tpu.vector_store %arg3[%swap3A_217, %swap3A_218], %get3A_216 {strides = array<i32>} : memref<512x1024xf32, #tpu.memory_space<vmem>>, vector<1x1024xf32>,
      %scan3A_220 = arith.constant 17 : i32
      %scan3A_221 = arith.addi %scan3A_4, %scan3A_220 : i32
      %mul3A_222 = arith.constant 512 : i32
      %mul3A_223 = arith.muli %arg0, %mul3A_222 : i32
      %add3A_224 = arith.addi %mul3A_223, %scan3A_221 : i32
      %get3A_225 = arith.index_cast %add3A_224 : i32 to index
      %get3A_226 = memref.load %arg1[%get3A_225] : memref<16384xi32, #tpu.memory_space<smem>>
      %get3A_227 = arith.index_cast %get3A_226 : i32 to index
      %get3A_228 = arith.constant 0 : index
      %get3A_229 = vector.load %arg2[%get3A_227, %get3A_228] : memref<1001x1024xf32, #tpu.memory_space<vmem>>, vector<1x1024xf32>
      %swap3A_230 = arith.index_cast %scan3A_221 : i32 to index
      %swap3A_231 = arith.constant 0 : index
      %swap3A_232 = vector.load %arg3[%swap3A_230, %swap3A_231] : memref<512x1024xf32, #tpu.memory_space<vmem>>, vector<1x1024xf32>
      tpu.vector_store %arg3[%swap3A_230, %swap3A_231], %get3A_229 {strides = array<i32>} : memref<512x1024xf32, #tpu.memory_space<vmem>>, vector<1x1024xf32>,
      %scan3A_233 = arith.constant 18 : i32
      %scan3A_234 = arith.addi %scan3A_4, %scan3A_233 : i32
      %mul3A_235 = arith.constant 512 : i32
      %mul3A_236 = arith.muli %arg0, %mul3A_235 : i32
      %add3A_237 = arith.addi %mul3A_236, %scan3A_234 : i32
      %get3A_238 = arith.index_cast %add3A_237 : i32 to index
      %get3A_239 = memref.load %arg1[%get3A_238] : memref<16384xi32, #tpu.memory_space<smem>>
      %get3A_240 = arith.index_cast %get3A_239 : i32 to index
      %get3A_241 = arith.constant 0 : index
      %get3A_242 = vector.load %arg2[%get3A_240, %get3A_241] : memref<1001x1024xf32, #tpu.memory_space<vmem>>, vector<1x1024xf32>
      %swap3A_243 = arith.index_cast %scan3A_234 : i32 to index
      %swap3A_244 = arith.constant 0 : index
      %swap3A_245 = vector.load %arg3[%swap3A_243, %swap3A_244] : memref<512x1024xf32, #tpu.memory_space<vmem>>, vector<1x1024xf32>
      tpu.vector_store %arg3[%swap3A_243, %swap3A_244], %get3A_242 {strides = array<i32>} : memref<512x1024xf32, #tpu.memory_space<vmem>>, vector<1x1024xf32>,
      %scan3A_246 = arith.constant 19 : i32
      %scan3A_247 = arith.addi %scan3A_4, %scan3A_246 : i32
      %mul3A_248 = arith.constant 512 : i32
      %mul3A_249 = arith.muli %arg0, %mul3A_248 : i32
      %add3A_250 = arith.addi %mul3A_249, %scan3A_247 : i32
      %get3A_251 = arith.index_cast %add3A_250 : i32 to index
      %get3A_252 = memref.load %arg1[%get3A_251] : memref<16384xi32, #tpu.memory_space<smem>>
      %get3A_253 = arith.index_cast %get3A_252 : i32 to index
      %get3A_254 = arith.constant 0 : index
      %get3A_255 = vector.load %arg2[%get3A_253, %get3A_254] : memref<1001x1024xf32, #tpu.memory_space<vmem>>, vector<1x1024xf32>
      %swap3A_256 = arith.index_cast %scan3A_247 : i32 to index
      %swap3A_257 = arith.constant 0 : index
      %swap3A_258 = vector.load %arg3[%swap3A_256, %swap3A_257] : memref<512x1024xf32, #tpu.memory_space<vmem>>, vector<1x1024xf32>
      tpu.vector_store %arg3[%swap3A_256, %swap3A_257], %get3A_255 {strides = array<i32>} : memref<512x1024xf32, #tpu.memory_space<vmem>>, vector<1x1024xf32>,
      %scan3A_259 = arith.constant 20 : i32
      %scan3A_260 = arith.addi %scan3A_4, %scan3A_259 : i32
      %mul3A_261 = arith.constant 512 : i32
      %mul3A_262 = arith.muli %arg0, %mul3A_261 : i32
      %add3A_263 = arith.addi %mul3A_262, %scan3A_260 : i32
      %get3A_264 = arith.index_cast %add3A_263 : i32 to index
      %get3A_265 = memref.load %arg1[%get3A_264] : memref<16384xi32, #tpu.memory_space<smem>>
      %get3A_266 = arith.index_cast %get3A_265 : i32 to index
      %get3A_267 = arith.constant 0 : index
      %get3A_268 = vector.load %arg2[%get3A_266, %get3A_267] : memref<1001x1024xf32, #tpu.memory_space<vmem>>, vector<1x1024xf32>
      %swap3A_269 = arith.index_cast %scan3A_260 : i32 to index
      %swap3A_270 = arith.constant 0 : index
      %swap3A_271 = vector.load %arg3[%swap3A_269, %swap3A_270] : memref<512x1024xf32, #tpu.memory_space<vmem>>, vector<1x1024xf32>
      tpu.vector_store %arg3[%swap3A_269, %swap3A_270], %get3A_268 {strides = array<i32>} : memref<512x1024xf32, #tpu.memory_space<vmem>>, vector<1x1024xf32>,
      %scan3A_272 = arith.constant 21 : i32
      %scan3A_273 = arith.addi %scan3A_4, %scan3A_272 : i32
      %mul3A_274 = arith.constant 512 : i32
      %mul3A_275 = arith.muli %arg0, %mul3A_274 : i32
      %add3A_276 = arith.addi %mul3A_275, %scan3A_273 : i32
      %get3A_277 = arith.index_cast %add3A_276 : i32 to index
      %get3A_278 = memref.load %arg1[%get3A_277] : memref<16384xi32, #tpu.memory_space<smem>>
      %get3A_279 = arith.index_cast %get3A_278 : i32 to index
      %get3A_280 = arith.constant 0 : index
      %get3A_281 = vector.load %arg2[%get3A_279, %get3A_280] : memref<1001x1024xf32, #tpu.memory_space<vmem>>, vector<1x1024xf32>
      %swap3A_282 = arith.index_cast %scan3A_273 : i32 to index
      %swap3A_283 = arith.constant 0 : index
      %swap3A_284 = vector.load %arg3[%swap3A_282, %swap3A_283] : memref<512x1024xf32, #tpu.memory_space<vmem>>, vector<1x1024xf32>
      tpu.vector_store %arg3[%swap3A_282, %swap3A_283], %get3A_281 {strides = array<i32>} : memref<512x1024xf32, #tpu.memory_space<vmem>>, vector<1x1024xf32>,
      %scan3A_285 = arith.constant 22 : i32
      %scan3A_286 = arith.addi %scan3A_4, %scan3A_285 : i32
      %mul3A_287 = arith.constant 512 : i32
      %mul3A_288 = arith.muli %arg0, %mul3A_287 : i32
      %add3A_289 = arith.addi %mul3A_288, %scan3A_286 : i32
      %get3A_290 = arith.index_cast %add3A_289 : i32 to index
      %get3A_291 = memref.load %arg1[%get3A_290] : memref<16384xi32, #tpu.memory_space<smem>>
      %get3A_292 = arith.index_cast %get3A_291 : i32 to index
      %get3A_293 = arith.constant 0 : index
      %get3A_294 = vector.load %arg2[%get3A_292, %get3A_293] : memref<1001x1024xf32, #tpu.memory_space<vmem>>, vector<1x1024xf32>
      %swap3A_295 = arith.index_cast %scan3A_286 : i32 to index
      %swap3A_296 = arith.constant 0 : index
      %swap3A_297 = vector.load %arg3[%swap3A_295, %swap3A_296] : memref<512x1024xf32, #tpu.memory_space<vmem>>, vector<1x1024xf32>
      tpu.vector_store %arg3[%swap3A_295, %swap3A_296], %get3A_294 {strides = array<i32>} : memref<512x1024xf32, #tpu.memory_space<vmem>>, vector<1x1024xf32>,
      %scan3A_298 = arith.constant 23 : i32
      %scan3A_299 = arith.addi %scan3A_4, %scan3A_298 : i32
      %mul3A_300 = arith.constant 512 : i32
      %mul3A_301 = arith.muli %arg0, %mul3A_300 : i32
      %add3A_302 = arith.addi %mul3A_301, %scan3A_299 : i32
      %get3A_303 = arith.index_cast %add3A_302 : i32 to index
      %get3A_304 = memref.load %arg1[%get3A_303] : memref<16384xi32, #tpu.memory_space<smem>>
      %get3A_305 = arith.index_cast %get3A_304 : i32 to index
      %get3A_306 = arith.constant 0 : index
      %get3A_307 = vector.load %arg2[%get3A_305, %get3A_306] : memref<1001x1024xf32, #tpu.memory_space<vmem>>, vector<1x1024xf32>
      %swap3A_308 = arith.index_cast %scan3A_299 : i32 to index
      %swap3A_309 = arith.constant 0 : index
      %swap3A_310 = vector.load %arg3[%swap3A_308, %swap3A_309] : memref<512x1024xf32, #tpu.memory_space<vmem>>, vector<1x1024xf32>
      tpu.vector_store %arg3[%swap3A_308, %swap3A_309], %get3A_307 {strides = array<i32>} : memref<512x1024xf32, #tpu.memory_space<vmem>>, vector<1x1024xf32>,
      %scan3A_311 = arith.constant 24 : i32
      %scan3A_312 = arith.addi %scan3A_4, %scan3A_311 : i32
      %mul3A_313 = arith.constant 512 : i32
      %mul3A_314 = arith.muli %arg0, %mul3A_313 : i32
      %add3A_315 = arith.addi %mul3A_314, %scan3A_312 : i32
      %get3A_316 = arith.index_cast %add3A_315 : i32 to index
      %get3A_317 = memref.load %arg1[%get3A_316] : memref<16384xi32, #tpu.memory_space<smem>>
      %get3A_318 = arith.index_cast %get3A_317 : i32 to index
      %get3A_319 = arith.constant 0 : index
      %get3A_320 = vector.load %arg2[%get3A_318, %get3A_319] : memref<1001x1024xf32, #tpu.memory_space<vmem>>, vector<1x1024xf32>
      %swap3A_321 = arith.index_cast %scan3A_312 : i32 to index
      %swap3A_322 = arith.constant 0 : index
      %swap3A_323 = vector.load %arg3[%swap3A_321, %swap3A_322] : memref<512x1024xf32, #tpu.memory_space<vmem>>, vector<1x1024xf32>
      tpu.vector_store %arg3[%swap3A_321, %swap3A_322], %get3A_320 {strides = array<i32>} : memref<512x1024xf32, #tpu.memory_space<vmem>>, vector<1x1024xf32>,
      %scan3A_324 = arith.constant 25 : i32
      %scan3A_325 = arith.addi %scan3A_4, %scan3A_324 : i32
      %mul3A_326 = arith.constant 512 : i32
      %mul3A_327 = arith.muli %arg0, %mul3A_326 : i32
      %add3A_328 = arith.addi %mul3A_327, %scan3A_325 : i32
      %get3A_329 = arith.index_cast %add3A_328 : i32 to index
      %get3A_330 = memref.load %arg1[%get3A_329] : memref<16384xi32, #tpu.memory_space<smem>>
      %get3A_331 = arith.index_cast %get3A_330 : i32 to index
      %get3A_332 = arith.constant 0 : index
      %get3A_333 = vector.load %arg2[%get3A_331, %get3A_332] : memref<1001x1024xf32, #tpu.memory_space<vmem>>, vector<1x1024xf32>
      %swap3A_334 = arith.index_cast %scan3A_325 : i32 to index
      %swap3A_335 = arith.constant 0 : index
      %swap3A_336 = vector.load %arg3[%swap3A_334, %swap3A_335] : memref<512x1024xf32, #tpu.memory_space<vmem>>, vector<1x1024xf32>
      tpu.vector_store %arg3[%swap3A_334, %swap3A_335], %get3A_333 {strides = array<i32>} : memref<512x1024xf32, #tpu.memory_space<vmem>>, vector<1x1024xf32>,
      %scan3A_337 = arith.constant 26 : i32
      %scan3A_338 = arith.addi %scan3A_4, %scan3A_337 : i32
      %mul3A_339 = arith.constant 512 : i32
      %mul3A_340 = arith.muli %arg0, %mul3A_339 : i32
      %add3A_341 = arith.addi %mul3A_340, %scan3A_338 : i32
      %get3A_342 = arith.index_cast %add3A_341 : i32 to index
      %get3A_343 = memref.load %arg1[%get3A_342] : memref<16384xi32, #tpu.memory_space<smem>>
      %get3A_344 = arith.index_cast %get3A_343 : i32 to index
      %get3A_345 = arith.constant 0 : index
      %get3A_346 = vector.load %arg2[%get3A_344, %get3A_345] : memref<1001x1024xf32, #tpu.memory_space<vmem>>, vector<1x1024xf32>
      %swap3A_347 = arith.index_cast %scan3A_338 : i32 to index
      %swap3A_348 = arith.constant 0 : index
      %swap3A_349 = vector.load %arg3[%swap3A_347, %swap3A_348] : memref<512x1024xf32, #tpu.memory_space<vmem>>, vector<1x1024xf32>
      tpu.vector_store %arg3[%swap3A_347, %swap3A_348], %get3A_346 {strides = array<i32>} : memref<512x1024xf32, #tpu.memory_space<vmem>>, vector<1x1024xf32>,
      %scan3A_350 = arith.constant 27 : i32
      %scan3A_351 = arith.addi %scan3A_4, %scan3A_350 : i32
      %mul3A_352 = arith.constant 512 : i32
      %mul3A_353 = arith.muli %arg0, %mul3A_352 : i32
      %add3A_354 = arith.addi %mul3A_353, %scan3A_351 : i32
      %get3A_355 = arith.index_cast %add3A_354 : i32 to index
      %get3A_356 = memref.load %arg1[%get3A_355] : memref<16384xi32, #tpu.memory_space<smem>>
      %get3A_357 = arith.index_cast %get3A_356 : i32 to index
      %get3A_358 = arith.constant 0 : index
      %get3A_359 = vector.load %arg2[%get3A_357, %get3A_358] : memref<1001x1024xf32, #tpu.memory_space<vmem>>, vector<1x1024xf32>
      %swap3A_360 = arith.index_cast %scan3A_351 : i32 to index
      %swap3A_361 = arith.constant 0 : index
      %swap3A_362 = vector.load %arg3[%swap3A_360, %swap3A_361] : memref<512x1024xf32, #tpu.memory_space<vmem>>, vector<1x1024xf32>
      tpu.vector_store %arg3[%swap3A_360, %swap3A_361], %get3A_359 {strides = array<i32>} : memref<512x1024xf32, #tpu.memory_space<vmem>>, vector<1x1024xf32>,
      %scan3A_363 = arith.constant 28 : i32
      %scan3A_364 = arith.addi %scan3A_4, %scan3A_363 : i32
      %mul3A_365 = arith.constant 512 : i32
      %mul3A_366 = arith.muli %arg0, %mul3A_365 : i32
      %add3A_367 = arith.addi %mul3A_366, %scan3A_364 : i32
      %get3A_368 = arith.index_cast %add3A_367 : i32 to index
      %get3A_369 = memref.load %arg1[%get3A_368] : memref<16384xi32, #tpu.memory_space<smem>>
      %get3A_370 = arith.index_cast %get3A_369 : i32 to index
      %get3A_371 = arith.constant 0 : index
      %get3A_372 = vector.load %arg2[%get3A_370, %get3A_371] : memref<1001x1024xf32, #tpu.memory_space<vmem>>, vector<1x1024xf32>
      %swap3A_373 = arith.index_cast %scan3A_364 : i32 to index
      %swap3A_374 = arith.constant 0 : index
      %swap3A_375 = vector.load %arg3[%swap3A_373, %swap3A_374] : memref<512x1024xf32, #tpu.memory_space<vmem>>, vector<1x1024xf32>
      tpu.vector_store %arg3[%swap3A_373, %swap3A_374], %get3A_372 {strides = array<i32>} : memref<512x1024xf32, #tpu.memory_space<vmem>>, vector<1x1024xf32>,
      %scan3A_376 = arith.constant 29 : i32
      %scan3A_377 = arith.addi %scan3A_4, %scan3A_376 : i32
      %mul3A_378 = arith.constant 512 : i32
      %mul3A_379 = arith.muli %arg0, %mul3A_378 : i32
      %add3A_380 = arith.addi %mul3A_379, %scan3A_377 : i32
      %get3A_381 = arith.index_cast %add3A_380 : i32 to index
      %get3A_382 = memref.load %arg1[%get3A_381] : memref<16384xi32, #tpu.memory_space<smem>>
      %get3A_383 = arith.index_cast %get3A_382 : i32 to index
      %get3A_384 = arith.constant 0 : index
      %get3A_385 = vector.load %arg2[%get3A_383, %get3A_384] : memref<1001x1024xf32, #tpu.memory_space<vmem>>, vector<1x1024xf32>
      %swap3A_386 = arith.index_cast %scan3A_377 : i32 to index
      %swap3A_387 = arith.constant 0 : index
      %swap3A_388 = vector.load %arg3[%swap3A_386, %swap3A_387] : memref<512x1024xf32, #tpu.memory_space<vmem>>, vector<1x1024xf32>
      tpu.vector_store %arg3[%swap3A_386, %swap3A_387], %get3A_385 {strides = array<i32>} : memref<512x1024xf32, #tpu.memory_space<vmem>>, vector<1x1024xf32>,
      %scan3A_389 = arith.constant 30 : i32
      %scan3A_390 = arith.addi %scan3A_4, %scan3A_389 : i32
      %mul3A_391 = arith.constant 512 : i32
      %mul3A_392 = arith.muli %arg0, %mul3A_391 : i32
      %add3A_393 = arith.addi %mul3A_392, %scan3A_390 : i32
      %get3A_394 = arith.index_cast %add3A_393 : i32 to index
      %get3A_395 = memref.load %arg1[%get3A_394] : memref<16384xi32, #tpu.memory_space<smem>>
      %get3A_396 = arith.index_cast %get3A_395 : i32 to index
      %get3A_397 = arith.constant 0 : index
      %get3A_398 = vector.load %arg2[%get3A_396, %get3A_397] : memref<1001x1024xf32, #tpu.memory_space<vmem>>, vector<1x1024xf32>
      %swap3A_399 = arith.index_cast %scan3A_390 : i32 to index
      %swap3A_400 = arith.constant 0 : index
      %swap3A_401 = vector.load %arg3[%swap3A_399, %swap3A_400] : memref<512x1024xf32, #tpu.memory_space<vmem>>, vector<1x1024xf32>
      tpu.vector_store %arg3[%swap3A_399, %swap3A_400], %get3A_398 {strides = array<i32>} : memref<512x1024xf32, #tpu.memory_space<vmem>>, vector<1x1024xf32>,
      %scan3A_402 = arith.constant 31 : i32
      %scan3A_403 = arith.addi %scan3A_4, %scan3A_402 : i32
      %mul3A_404 = arith.constant 512 : i32
      %mul3A_405 = arith.muli %arg0, %mul3A_404 : i32
      %add3A_406 = arith.addi %mul3A_405, %scan3A_403 : i32
      %get3A_407 = arith.index_cast %add3A_406 : i32 to index
      %get3A_408 = memref.load %arg1[%get3A_407] : memref<16384xi32, #tpu.memory_space<smem>>
      %get3A_409 = arith.index_cast %get3A_408 : i32 to index
      %get3A_410 = arith.constant 0 : index
      %get3A_411 = vector.load %arg2[%get3A_409, %get3A_410] : memref<1001x1024xf32, #tpu.memory_space<vmem>>, vector<1x1024xf32>
      %swap3A_412 = arith.index_cast %scan3A_403 : i32 to index
      %swap3A_413 = arith.constant 0 : index
      %swap3A_414 = vector.load %arg3[%swap3A_412, %swap3A_413] : memref<512x1024xf32, #tpu.memory_space<vmem>>, vector<1x1024xf32>
      tpu.vector_store %arg3[%swap3A_412, %swap3A_413], %get3A_411 {strides = array<i32>} : memref<512x1024xf32, #tpu.memory_space<vmem>>, vector<1x1024xf32>,
    }
    %scan3A_3 = arith.constant 512 : i32
    return
  }
  func.func @transform_0(%arg0: i32, %arg1: memref<16384xi32, #tpu.memory_space<smem>>) -> (i32, i32) {
    %c0_i32 = arith.constant 0 : i32
    %c0_i32_0 = arith.constant 0 : i32
    %c0_i32_1 = arith.constant 0 : i32
    return %c0_i32, %c0_i32_0 : i32, i32
  }
  func.func @transform_1(%arg0: i32, %arg1: memref<16384xi32, #tpu.memory_space<smem>>) -> (i32, i32) {
    %c0_i32 = arith.constant 0 : i32
    %c0_i32_0 = arith.constant 0 : i32
    return %arg0, %c0_i32 : i32, i32
  }
}

</mosaic_0001>

<sc_bundles>
// kernel: kernel.4.cloned.1.call-start
scs
__scs_entry_jumppad:
0x0: {  	(pc) =	sbr.rel $0x88, $3  }
0x1: {  	(tag) =	ssettag $0x0;
	lr =	simm.s32 $0x1  }
0x2: {  	[smem:$0x3F9E] =	sst lr;
	_ =	strace $0xD0000000  }
0x3: {  	_ = 	snop  }
0x4: {  	_ = 	snop  }
0x5: {  	_ = 	snop  }
0x6: {  	_ = 	snop  }
0x7: {  	_ = 	snop  }
__scs_overlays_trampoline_lowered:
0x8: {  	[smem:$0x3FAD] =	sst s0  }
0x9: {  	[smem:$0x3FAE] =	sst s1  }
0xa: {  	[smem:$0x3FAF] =	sst s2  }
0xb: {  	[smem:$0x3FB0] =	sst s3  }
0xc: {  	[smem:$0x3FB1] =	sst s4  }
0xd: {  	[smem:$0x3FB2] =	sst s5  }
0xe: {  	[smem:$0x3FB3] =	sst s6  }
0xf: {  	[smem:$0x3FB4] =	sst s7  }
0x10: {  	[smem:$0x3FB5] =	sst s8  }
0x11: {  	[smem:$0x3FB6] =	sst s9;
	s0 =	simm.s32 @!p0 $0x0  }
0x12: {  	s1 =	sld [smem:$0x3F9C];
	s0 =	simm.s32 @p0 $0x1  }
0x13: {  	[smem:$0x3FB7] =	sst s0;
	s0 =	simm.s32 @!p1 $0x0  }
0x14: {  	s2 =	sld [smem:$0x3F9B];
	s0 =	simm.s32 @p1 $0x1  }
0x15: {  	[smem:$0x3FB8] =	sst s0;
	s0 =	simm.s32 @!p2 $0x0  }
0x16: {  	s3 =	sld [smem:$0x3FDB];
	s0 =	simm.s32 @p2 $0x1  }
0x17: {  	s4 =	simm.s32 $0x1BF5;
	[smem:$0x3FBA] =	sst s0  }
0x18: {  	s0 =	sld [smem:$0x3F9D];
	_ =	swait.ge [sflag:s4], $0x0  }
0x19: {  	s7 =	sld [smem:$0x3F9E]  }
0x1a: {  	s8 =	sadd.s32 $0xFFFFE003, lr  }
0x1b: {  	s9 =	sadd.s32 $0xFFFFFEF7, lr;
	s5 =	simm.s32 $0xFFFFFFFF;
	p2 =	slt.u32 s8, $0xFFFFF086  }
0x1c: {  	p1 =	slt.u32 s9, $0xF7A;
	s5 =	simm.s32 @!p2 $0x0  }
0x1d: {  	s5 =	simm.s32 @p1 $0x1;
	p0 =	seq.s32 s7, s2  }
0x1e: {  	s7 =	smul.u32 @!p0 $0xF7A, s2;
	p2 =	seq.s32 @!p0 s5, $0x0  }
0x1f: {  	s9 =	smul.u32 $0xF7A, s1;
	s8 =	simm.s32 @!p0 $0x1BF5;
	p2 =	por !p2, p0  }
0x20: {  	[sflag:s8] =	ssyncset.s32 @!p0 $0xFFFFF086;
	s6 =	sadd.s32 @!p0 s3, s7;
	s7 =	simm.s32 @!p0 $0x108  }
0x21: {  	s3 =	sadd.s32 s3, s9;
	s6 =	sadd.s32 @!p0 $0x88, s6;
	s7 =	simm.s32 @p2 $0x1082  }
0x22: {  	[simem:s7], [sflag:s8] =	dma.local @!p0 [hbm:s6], $0xF7A  }
0x23: {  	s9 =	sor.u32 $0xD0000000, s2;
	s6 =	simm.s32 $0x108;
	_ =	swait.ge @!p0 [sflag:s8], $0x0  }
0x24: {  	s3 =	sadd.s32 $0x88, s3;
	s6 =	simm.s32 @!p1 $0x1082;
	[sflag:s4] =	ssyncset.s32 $0xFFFFF086  }
0x25: {  	[simem:s6], [sflag:s4] =	dma.local [hbm:s3], $0xF7A  }
0x26: {  	[smem:$0x3F9E] =	sst s1;
	(tag) =	ssettag s2;
	_ =	strace s9  }
0x27: {  	s1 =	sld [smem:$0x3FAE]  }
0x28: {  	s2 =	sld [smem:$0x3FAF]  }
0x29: {  	s4 =	sld [smem:$0x3FB1]  }
0x2a: {  	p0 =	seq.s32 s5, $0x0;
	s5 =	sld [smem:$0x3FB2]  }
0x2b: {  	s6 =	sld [smem:$0x3FB3]  }
0x2c: {  	s7 =	sld [smem:$0x3FB4]  }
0x2d: {  	s3 =	simm.s32 $0x108;
	s8 =	sld [smem:$0x3FB5]  }
0x2e: {  	s3 =	simm.s32 @!p0 $0x1082;
	s9 =	sld [smem:$0x3FB6]  }
0x2f: {  	lr =	sadd.s32 s0, s3;
	s0 =	sld [smem:$0x3FAD]  }
0x30: {  	s3 =	sld [smem:$0x3FB0]  }
0x31: {  	[smem:$0x3FB9] =	sst s10  }
0x32: {  	s10 =	sld [smem:$0x3FB7];
	_ =	sdelay $0x3  }
0x33: {  	p0 =	seq.s32 s10, $0x1;
	s10 =	sld [smem:$0x3FB9];
	_ =	sdelay $0x3  }
0x34: {  	[smem:$0x3FB9] =	sst s10  }
0x35: {  	s10 =	sld [smem:$0x3FB8];
	_ =	sdelay $0x3  }
0x36: {  	p1 =	seq.s32 s10, $0x1;
	s10 =	sld [smem:$0x3FB9];
	_ =	sdelay $0x3  }
0x37: {  	[smem:$0x3FB9] =	sst s10  }
0x38: {  	s10 =	sld [smem:$0x3FBA]  }
0x39: {  	_ = 	snop;
	(pc) =	sbr.ind lr, $3  }
0x3a: {  	_ = 	snop  }
0x3b: {  	_ = 	snop  }
0x3c: {  	p2 =	seq.s32 s10, $0x1;
	s10 =	sld [smem:$0x3FB9]  }
0x3d: {  	_ =	shalt  }
0x3e: {  	_ =	shalt  }
0x3f: {  	_ =	shalt  }
0x40: {  	_ =	shalt  }
0x41: {  	_ =	shalt  }
0x42: {  	_ =	shalt  }
0x43: {  	_ =	shalt  }
0x44: {  	_ =	shalt  }
0x45: {  	_ =	shalt  }
0x46: {  	_ =	shalt  }
0x47: {  	_ =	shalt  }
0x48: {  	_ =	shalt  }
0x49: {  	_ =	shalt  }
0x4a: {  	_ =	shalt  }
0x4b: {  	_ =	shalt  }
0x4c: {  	_ =	shalt  }
0x4d: {  	_ =	shalt  }
0x4e: {  	_ =	shalt  }
0x4f: {  	_ =	shalt  }
0x50: {  	_ =	shalt  }
0x51: {  	_ =	shalt  }
0x52: {  	_ =	shalt  }
0x53: {  	_ =	shalt  }
0x54: {  	_ =	shalt  }
0x55: {  	_ =	shalt  }
0x56: {  	_ =	shalt  }
0x57: {  	_ =	shalt  }
0x58: {  	_ =	shalt  }
0x59: {  	_ =	shalt  }
0x5a: {  	_ =	shalt  }
0x5b: {  	_ =	shalt  }
0x5c: {  	_ =	shalt  }
0x5d: {  	_ =	shalt  }
0x5e: {  	_ =	shalt  }
0x5f: {  	_ =	shalt  }
0x60: {  	_ =	shalt  }
0x61: {  	_ =	shalt  }
0x62: {  	_ =	shalt  }
0x63: {  	_ =	shalt  }
0x64: {  	_ =	shalt  }
0x65: {  	_ =	shalt  }
0x66: {  	_ =	shalt  }
0x67: {  	_ =	shalt  }
0x68: {  	_ =	shalt  }
0x69: {  	_ =	shalt  }
0x6a: {  	_ =	shalt  }
0x6b: {  	_ =	shalt  }
0x6c: {  	_ =	shalt  }
0x6d: {  	_ =	shalt  }
0x6e: {  	_ =	shalt  }
0x6f: {  	_ =	shalt  }
0x70: {  	_ =	shalt  }
0x71: {  	_ =	shalt  }
0x72: {  	_ =	shalt  }
0x73: {  	_ =	shalt  }
0x74: {  	_ =	shalt  }
0x75: {  	_ =	shalt  }
0x76: {  	_ =	shalt  }
0x77: {  	_ =	shalt  }
0x78: {  	_ =	shalt  }
0x79: {  	_ =	shalt  }
0x7a: {  	_ =	shalt  }
0x7b: {  	_ =	shalt  }
0x7c: {  	_ =	shalt  }
0x7d: {  	_ =	shalt  }
0x7e: {  	_ =	shalt  }
0x7f: {  	_ =	shalt  }
0x80: {  	_ =	shalt  }
0x81: {  	_ =	shalt  }
0x82: {  	_ =	shalt  }
0x83: {  	_ =	shalt  }
0x84: {  	_ =	shalt  }
0x85: {  	_ =	shalt  }
0x86: {  	_ =	shalt  }
0x87: {  	_ =	shalt  }
.Lfunc_end0:
.L_simem_size_0:
called_computation_lowered:
.L_overlay_start_0:
0x88: {  	s2 =	sld [smem:$0x3FD9]  }
0x89: {  	s3 =	sld [smem:$0x3FFE];
	_ =	sdelay $0x1  }
0x8a: {  	s1 =	srdreg.scid  }
0x8b: {  	s0 =	sand.u32 $0x1, s1  }
0x8c: {  	s18 =	sshll.u32 s0, $0xA;
	s2 =	sadd.s32 s3, s2  }
0x8d: {  	s2 =	sadd.s32 s2, s18  }
0x8e: {  	[smem:$0x3FC5] =	sst s2  }
0x8f: {  	_ = 	snop  }
0x90: {  	s2 =	sld [smem:$0x3FC9]  }
0x91: {  	s19 =	sld [smem:$0x3FC8]  }
0x92: {  	s4 =	sld [smem:$0x3FD0];
	(tm) =	ssettm $0x1  }
0x93: {  	s5 =	sld [smem:$0x3FFB];
	_ =	sdelay $0x3  }
0x94: {  	_ =	strace s5  }
0x95: {  	s5 =	sld [smem:$0x3FFC];
	_ =	sdelay $0x3  }
0x96: {  	_ =	strace s5  }
0x97: {  	s5 =	sld [smem:$0x3FFD];
	_ =	sdelay $0x3  }
0x98: {  	_ =	strace s5  }
0x99: {  	_ =	strace $0x8FFFFFFF  }
0x9a: {  	s20 =	sld [smem:$0x3FDB];
	_ =	sdelay $0x1  }
0x9b: {  	s6 =	simm.s32 $_scs_section_size  }
0x9c: {  	s7 =	simm.s32 $_size__tile_overlayer_lowered;
	s8 =	simm.s32 $_tile_overlayer_lowered  }
0x9d: {  	s23 =	simm.s32 $0x1BFF;
	s22 =	sshll.u32 s8, $0x1;
	s5 =	sadd.s32 s6, s20  }
0x9e: {  	s9 =	simm.s32 $0x0;
	s21 =	sshll.u32 s7, $0x1;
	s7 =	sadd.s32 s22, s5  }
0x9f: {  	[timem:s9], [sflag:s23] =	dma.local [hbm:s7], s21  }
0xa0: {  	_ =	swait.ge [sflag:s23], s21  }
0xa1: {  	s6 =	ssub.s32 $0x0, s21;
	[sflag:s23] =	ssyncset.done $0x0  }
0xa2: {  	[sflag:s23] =	ssyncadd.s32 s6;
	_ =	sdelay $0x1  }
0xa3: {  	s24 =	simm.s32 $0x1B8B  }
0xa4: {  	_ =	swait.ge [sflag:s24], $0x1  }
0xa5: {  	[sflag:s24] =	ssyncset.done $0x0  }
0xa6: {  	s25 =	simm.s32 $0x1B8E;
	[sflag:s24] =	ssyncadd.s32 $0xFFFFFFFF  }
0xa7: {  	s26 =	simm.s32 $execute0_lowered;
	[smem:$0x3FD2] =	sst s25  }
0xa8: {  	s6 =	sshll.u32 s26, $0x1;
	_ =	strace $0x80000046;
	[dreg:$0x1] =	wrdreg $0xFFFFFFFF  }
0xa9: {  	s28 =	simm.s32 $_size_execute0_lowered;
	s5 =	sadd.s32 s5, s6;
	[dreg:$0x0] =	wrdreg $0x0  }
0xaa: {  	s6 =	sshll.u32 s28, $0x1;
	[dreg:$0x2] =	wrdreg s5  }
0xab: {  	[dreg:$0x3] =	wrdreg s6  }
0xac: {  	[dreg:$0x4] =	wrdreg $0xC0  }
0xad: {  	_ =	task [dreg:s9], $0x5FFFF  }
0xae: {  	[dreg:$0x1] =	wrdreg $0xFFFFFFFF  }
0xaf: {  	[dreg:$0x0] =	wrdreg $0x60  }
0xb0: {  	[dreg:$0x2] =	wrdreg s2  }
0xb1: {  	[dreg:$0x3] =	wrdreg s19  }
0xb2: {  	[dreg:$0x4] =	wrdreg s4  }
0xb3: {  	[dreg:$0x5] =	wrdreg $0x9  }
0xb4: {  	_ =	task.clear_ibuf [dreg:s9], $0x6FFFF;
	_ =	strace $0x90000046  }
0xb5: {  	s29 =	simm.s32 $0x9;
	_ =	strace $0x80000048  }
0xb6: {  	_ =	swait.ge [sflag:s29], $0x1  }
0xb7: {  	[sflag:s29] =	ssyncadd.s32 $0xFFFFFFFF  }
0xb8: {  	_ =	strace $0x90000048  }
0xb9: {  	_ =	sfence  }
0xba: {  	s30 =	sld [smem:$0x0];
	_ =	sdelay $0x2  }
0xbb: {  	s31 =	sshll.u32 s1, $0xD;
	s1 =	sshrl.u32 s1, $0x2  }
0xbc: {  	s3 =	sand.u32 $0x4000, s31;
	s1 =	sadd.s32 s1, s30  }
0xbd: {  	s0 =	sor.u32 s3, s0;
	s1 =	sshll.u32 s1, $0x11  }
0xbe: {  	s0 =	sor.u32 s1, s0  }
0xbf: {  	s0 =	sadd.s32 $0x8F2B, s0  }
0xc0: {  	[sflag:s0] =	ssyncadd.remote.s32 $0x1  }
0xc1: {  	_ =	sfence.sel $0xFFFF  }
0xc2: {  	[dreg:$0x0] =	wrdreg $0xFFFFFFFF;
	(pc) =	sbr.abs _section_cstart, $3  }
0xc3: {  	[dreg:$0x1] =	wrdreg $0xFFFFFFFF  }
0xc4: {  	_ =	task.clear_ibuf [dreg:s9], $0x2FFFF;
	_ =	strace $0x9FFFFFFF  }
0xc5: {  	(tm) =	ssettm $0x7FFFFFFF  }
tec
execute0_lowered:
.L_overlay_start_1:
0x0: {  	(tag) =	ssettag $0x1  }
0x1: {  	s3 =	rddreg [dreg:$0x0]  }
0x2: {  	s4 =	rddreg [dreg:$0x1]  }
0x3: {  	s5 =	rddreg [dreg:$0x2]  }
0x4: {  	s0 =	rddreg [dreg:$0x3];
	s6 =	srdreg.scid  }
0x5: {  	s2 =	simm.s32 $0x0;
	s1 =	stileid.u32;
	s6 =	sand.u32 $0x1, s6  }
0x6: {  	s8 =	sshll.u32 s1, $0x6;
	[smem:$0x7FF] =	sst s2;
	s7 =	ssub.s32 $0x2, s6  }
0x7: {  	s6 =	sshll.u32 s6, $0xA;
	_ =	strace $0x80000047;
	s9 =	sshrl.u32 s7, $0x1  }
0x8: {  	s6 =	sor.u32 s8, s6;
	s8 =	simm.s32 $0x200;
	s7 =	ssub.s32 s7, s9  }
0x9: {  	s3 =	sadd.s32 s3, s6;
	s4 =	sadd.s32 s4, s6;
	s5 =	sadd.s32 s5, s6  }
0xa: {  	s9 =	simm.s32 $0x400;
	s6 =	smax.u32 s7, $0x1;
	s7 =	simm.s32 $0x1  }
.LBB2_1:
0xb: {  	[tilespmem:s2], [sflag:$0x1] =	stream.linear.gather [hbm4b:s3+s2], $0x200, $0x38;
	[tilespmem:$0x600] =	vst v63  }
0xc: {  	_ =	swait.ge [sflag:s7], $0x200  }
0xd: {  	[sflag:s7] =	ssyncset.done $0x0  }
0xe: {  	[sflag:s7] =	ssyncadd.s32 $0xFFFFFE00  }
0xf: {  	[tilespmem:s8], [sflag:$0x1] =	stream.linear.gather [hbm4b:s4+s2], $0x200, $0x38;
	[tilespmem:$0x600] =	vst v63  }
0x10: {  	_ =	swait.ge [sflag:s7], $0x200  }
0x11: {  	[sflag:s7] =	ssyncset.done $0x0  }
0x12: {  	[sflag:s7] =	ssyncadd.s32 $0xFFFFFE00  }
0x13: {  	v0 =	vld [tilespmem:$0x200]  }
0x14: {  	v1 =	vld [tilespmem:$0x0]  }
0x15: {  	v2 =	vld [tilespmem:$0x210]  }
0x16: {  	v3 =	vld [tilespmem:$0x10]  }
0x17: {  	v4 =	vld [tilespmem:$0x220]  }
0x18: {  	v5 =	vld [tilespmem:$0x20]  }
0x19: {  	v6 =	vld [tilespmem:$0x230]  }
0x1a: {  	v7 =	vld [tilespmem:$0x30]  }
0x1b: {  	v8 =	vld [tilespmem:$0x240]  }
0x1c: {  	v9 =	vld [tilespmem:$0x40]  }
0x1d: {  	v10 =	vld [tilespmem:$0x250]  }
0x1e: {  	v11 =	vld [tilespmem:$0x50]  }
0x1f: {  	v12 =	vld [tilespmem:$0x260]  }
0x20: {  	v13 =	vld [tilespmem:$0x60]  }
0x21: {  	v14 =	vld [tilespmem:$0x270]  }
0x22: {  	v15 =	vld [tilespmem:$0x70]  }
0x23: {  	v16 =	vld [tilespmem:$0x280]  }
0x24: {  	v17 =	vld [tilespmem:$0x80]  }
0x25: {  	v18 =	vld [tilespmem:$0x290]  }
0x26: {  	v19 =	vld [tilespmem:$0x90]  }
0x27: {  	v20 =	vld [tilespmem:$0x2A0]  }
0x28: {  	v21 =	vld [tilespmem:$0xA0]  }
0x29: {  	v22 =	vld [tilespmem:$0x2B0]  }
0x2a: {  	v23 =	vld [tilespmem:$0xB0]  }
0x2b: {  	v24 =	vld [tilespmem:$0x2C0]  }
0x2c: {  	v25 =	vld [tilespmem:$0xC0]  }
0x2d: {  	v26 =	vld [tilespmem:$0x2D0]  }
0x2e: {  	v27 =	vld [tilespmem:$0xD0]  }
0x2f: {  	v28 =	vld [tilespmem:$0x2E0]  }
0x30: {  	v29 =	vld [tilespmem:$0xE0]  }
0x31: {  	v30 =	vld [tilespmem:$0x2F0]  }
0x32: {  	v31 =	vld [tilespmem:$0xF0]  }
0x33: {  	v32 =	vld [tilespmem:$0x300]  }
0x34: {  	v33 =	vld [tilespmem:$0x100]  }
0x35: {  	v34 =	vld [tilespmem:$0x310]  }
0x36: {  	v35 =	vld [tilespmem:$0x110]  }
0x37: {  	v44 =	vld [tilespmem:$0x320];
	vm0 =	veq.s32 v0, $0x1  }
0x38: {  	v45 =	vld [tilespmem:$0x120];
	vm9 =	veq.s32 v2, $0x1;
	v1 =	vsel vm0, $0x3E8, v1  }
0x39: {  	v47 =	vld [tilespmem:$0x330];
	vm10 =	veq.s32 v4, $0x1;
	v46 =	vsel vm9, $0x3E8, v3;
	[tilespmem:$0x400] =	vst v1  }
0x3a: {  	v49 =	vld [tilespmem:$0x130];
	vm11 =	veq.s32 v6, $0x1;
	v48 =	vsel vm10, $0x3E8, v5;
	[tilespmem:$0x410] =	vst v46  }
0x3b: {  	v51 =	vld [tilespmem:$0x340];
	vm12 =	veq.s32 v8, $0x1;
	v50 =	vsel vm11, $0x3E8, v7;
	[tilespmem:$0x420] =	vst v48  }
0x3c: {  	v53 =	vld [tilespmem:$0x140];
	vm13 =	veq.s32 v10, $0x1;
	v52 =	vsel vm12, $0x3E8, v9;
	[tilespmem:$0x430] =	vst v50  }
0x3d: {  	v55 =	vld [tilespmem:$0x350];
	vm14 =	veq.s32 v12, $0x1;
	v54 =	vsel vm13, $0x3E8, v11;
	[tilespmem:$0x440] =	vst v52  }
0x3e: {  	v57 =	vld [tilespmem:$0x150];
	vm15 =	veq.s32 v14, $0x1;
	v56 =	vsel vm14, $0x3E8, v13;
	[tilespmem:$0x450] =	vst v54  }
0x3f: {  	v59 =	vld [tilespmem:$0x360];
	vm4 =	veq.s32 v16, $0x1;
	v58 =	vsel vm15, $0x3E8, v15;
	[tilespmem:$0x460] =	vst v56  }
0x40: {  	v61 =	vld [tilespmem:$0x160];
	vm5 =	veq.s32 v18, $0x1;
	v60 =	vsel vm4, $0x3E8, v17;
	[tilespmem:$0x470] =	vst v58  }
0x41: {  	v63 =	vld [tilespmem:$0x370];
	vm6 =	veq.s32 v20, $0x1;
	v62 =	vsel vm5, $0x3E8, v19;
	[tilespmem:$0x480] =	vst v60  }
0x42: {  	v37 =	vld [tilespmem:$0x3A0];
	vm7 =	veq.s32 v22, $0x1;
	v21 =	vsel vm6, $0x3E8, v21;
	[tilespmem:$0x490] =	vst v62  }
0x43: {  	v39 =	vld [tilespmem:$0x1A0];
	vm8 =	veq.s32 v24, $0x1;
	v23 =	vsel vm7, $0x3E8, v23;
	[tilespmem:$0x4A0] =	vst v21  }
0x44: {  	v41 =	vld [tilespmem:$0x3B0];
	v25 =	vsel vm8, $0x3E8, v25;
	vm9 =	veq.s32 v26, $0x1;
	[tilespmem:$0x4B0] =	vst v23  }
0x45: {  	v43 =	vld [tilespmem:$0x1B0];
	vm10 =	veq.s32 v28, $0x1;
	[tilespmem:$0x4C0] =	vst v25;
	v27 =	vsel vm9, $0x3E8, v27  }
0x46: {  	v22 =	vld [tilespmem:$0x170];
	vm11 =	veq.s32 v30, $0x1;
	v29 =	vsel vm10, $0x3E8, v29;
	[tilespmem:$0x4D0] =	vst v27  }
0x47: {  	v24 =	vld [tilespmem:$0x380];
	vm12 =	veq.s32 v32, $0x1;
	v36 =	vsel vm11, $0x3E8, v31;
	[tilespmem:$0x4E0] =	vst v29  }
0x48: {  	v26 =	vld [tilespmem:$0x180];
	vm13 =	veq.s32 v34, $0x1;
	v38 =	vsel vm12, $0x3E8, v33;
	[tilespmem:$0x4F0] =	vst v36  }
0x49: {  	v28 =	vld [tilespmem:$0x390];
	vm14 =	veq.s32 v44, $0x1;
	v40 =	vsel vm13, $0x3E8, v35;
	[tilespmem:$0x500] =	vst v38  }
0x4a: {  	v30 =	vld [tilespmem:$0x190];
	vm15 =	veq.s32 v47, $0x1;
	v42 =	vsel vm14, $0x3E8, v45;
	[tilespmem:$0x510] =	vst v40  }
0x4b: {  	vm4 =	veq.s32 v51, $0x1;
	v47 =	vld [tilespmem:$0x1C0];
	v44 =	vsel vm15, $0x3E8, v49;
	[tilespmem:$0x520] =	vst v42  }
0x4c: {  	vm5 =	veq.s32 v55, $0x1;
	v51 =	vld [tilespmem:$0x1D0];
	v46 =	vsel vm4, $0x3E8, v53;
	[tilespmem:$0x530] =	vst v44  }
0x4d: {  	vm6 =	veq.s32 v59, $0x1;
	v55 =	vld [tilespmem:$0x1E0];
	v48 =	vsel vm5, $0x3E8, v57;
	[tilespmem:$0x540] =	vst v46  }
0x4e: {  	v45 =	vld [tilespmem:$0x3C0];
	v50 =	vsel vm6, $0x3E8, v61;
	vm10 =	veq.s32 v37, $0x1;
	[tilespmem:$0x550] =	vst v48  }
0x4f: {  	v49 =	vld [tilespmem:$0x3D0];
	vm11 =	veq.s32 v41, $0x1;
	[tilespmem:$0x560] =	vst v50;
	v58 =	vsel vm10, $0x3E8, v39  }
0x50: {  	vm7 =	veq.s32 v63, $0x1;
	v53 =	vld [tilespmem:$0x3E0];
	v60 =	vsel vm11, $0x3E8, v43;
	[tilespmem:$0x5A0] =	vst v58  }
0x51: {  	v57 =	vld [tilespmem:$0x3F0];
	[tilespmem:$0x5B0] =	vst v60;
	v52 =	vsel vm7, $0x3E8, v22;
	vm8 =	veq.s32 v24, $0x1  }
0x52: {  	v59 =	vld [tilespmem:$0x1F0];
	[tilespmem:$0x570] =	vst v52;
	v54 =	vsel vm8, $0x3E8, v26;
	vm9 =	veq.s32 v28, $0x1  }
0x53: {  	[tilespmem:$0x580] =	vst v54;
	v56 =	vsel vm9, $0x3E8, v30;
	vm12 =	veq.s32 v45, $0x1  }
0x54: {  	vm13 =	veq.s32 v49, $0x1;
	[tilespmem:$0x590] =	vst v56;
	v61 =	vsel vm12, $0x3E8, v47  }
0x55: {  	vm14 =	veq.s32 v53, $0x1;
	v62 =	vsel vm13, $0x3E8, v51;
	[tilespmem:$0x5C0] =	vst v61  }
0x56: {  	vm15 =	veq.s32 v57, $0x1;
	v63 =	vsel vm14, $0x3E8, v55;
	[tilespmem:$0x5D0] =	vst v62  }
0x57: {  	p0 =	sne.s32 s6, $0x1;
	v0 =	vsel vm15, $0x3E8, v59;
	[tilespmem:$0x5E0] =	vst v63  }
.Ltmp0:
0x58: {  	[tilespmem:$0x5F0] =	vst v0;
	(pc) =	sbr.rel @p0 .LBB2_1-.Ltmp0, $4  }
0x59: {  	[hbm4b:s5+s2] =	stream.linear.scatter [tilespmem:s9], [sflag:$0x1], $0x200, $0x38;
	[tilespmem:$0x600] =	vst v63  }
0x5a: {  	_ =	swait.ge [sflag:s7], $0x200  }
0x5b: {  	[sflag:s7] =	ssyncset.done $0x0  }
0x5c: {  	s6 =	sadd.s32 $0xFFFFFFFF, s6;
	[sflag:s7] =	ssyncadd.s32 $0xFFFFFE00  }
0x5d: {  	_ =	sfence.sel $0x180000  }
0x5e: {  	[bflag:$0x0] =	sbarrier.arrive $0xFFFF  }
0x5f: {  	p0 =	sne.s32 s1, $0x0;
	_ =	strace $0x90000047  }
0x60: {  	s0 =	sadd.s32 @!p0 $0x100000, s0;
	[bflag:$0x2] =	sbarrier.arrive $0xFFFF  }
0x61: {  	[sflag:s0] =	ssyncadd.tile.s32 @!p0 $0x1;
	_ =	shalt  }
.Lfunc_end2:
_tile_overlayer_lowered:
.L_overlay_start_2:
0x62: {  	(tag) =	ssettag $0x2  }
0x63: {  	s0 =	rddreg [dreg:$0x0];
	s2 =	stileid.u32  }
0x64: {  	s1 =	rddreg [dreg:$0x1];
	p0 =	sne.s32 s2, $0x0  }
0x65: {  	s3 =	rddreg [dreg:$0x2];
	[bflag:$0x3] =	sbarrier.arrive $0xFFFF;
	s2 =	simm.s32 @!p0 $0x1C01  }
0x66: {  	[timem:s3], [sflag:s2] =	dma.local @!p0 [hbm:s0], s1  }
0x67: {  	s0 =	simm.s32 @!p0 $0x1  }
0x68: {  	_ =	swait.ge @!p0 [sflag:s0], s1  }
0x69: {  	s1 =	ssub.s32 @!p0 $0x0, s1;
	[sflag:s0] =	ssyncset.done @!p0 $0x0  }
0x6a: {  	[sflag:s0] =	ssyncadd.s32 @!p0 s1  }
0x6b: {  	[bflag:$0x3] =	sbarrier.arrive $0xFFFF  }
0x6c: {  	_ =	shalt  }

</sc_bundles>
